<compile_context>
chip_gen: v7x
topology: tpu7x:2x2x1
jax: 0.10.2.dev20260603
libtpu: 0.0.44.dev20260713+nightly
codegen_flags: <defaults>
</compile_context>

<pallas_src>
import functools
import jax
import jax.numpy as jnp
from jax import lax
from jax.experimental import pallas as pl
from jax.experimental.pallas import tpu as pltpu
from jax.experimental.pallas import tpu_sc as plsc

_N = 8192
_D = 256
_K = 512
_MAX_ITER = 10
_ROWS = 1024
_NC = 2
_NS = 16
_GPW = _K // (_NC * _NS)


def _sc_gather_body(x_hbm, idx_hbm, out_hbm, idx_v, rows_v, sem):
    wid = lax.axis_index("s") * _NC + lax.axis_index("c")
    base = wid * _GPW
    pltpu.sync_copy(idx_hbm.at[pl.ds(base, _GPW)], idx_v)
    pltpu.async_copy(x_hbm.at[idx_v], rows_v, sem).wait()
    pltpu.sync_copy(rows_v, out_hbm.at[pl.ds(base, _GPW)])


_sc_gather = functools.partial(
    pl.kernel,
    mesh=plsc.VectorSubcoreMesh(core_axis_name="c", subcore_axis_name="s"),
    out_type=jax.ShapeDtypeStruct((_K, _D), jnp.float32),
    scratch_types=[
        pltpu.VMEM((_GPW,), jnp.int32),
        pltpu.VMEM((_GPW, _D), jnp.float32),
        pltpu.SemaphoreType.DMA,
    ],
)(_sc_gather_body)


def _kmeans_body(x_ref, cinit_ref, out_ref, centers, sums, counts,
                 x2s, his, mids, los):
    it = pl.program_id(0)
    n_chunks = _N // _ROWS

    @pl.when(it == 0)
    def _init():
        centers[...] = cinit_ref[...]

        def prep(i, carry):
            xb = x_ref[pl.ds(i * _ROWS, _ROWS), :]
            x2 = jnp.sum(xb * xb, axis=1, keepdims=True)
            x2s[pl.ds(i * _ROWS, _ROWS), :] = jnp.broadcast_to(x2, (_ROWS, 8))
            hi = xb.astype(jnp.bfloat16)
            r1 = xb - hi.astype(jnp.float32)
            mid = r1.astype(jnp.bfloat16)
            lo = (r1 - mid.astype(jnp.float32)).astype(jnp.bfloat16)
            his[pl.ds(i * _ROWS, _ROWS), :] = hi
            mids[pl.ds(i * _ROWS, _ROWS), :] = mid
            los[pl.ds(i * _ROWS, _ROWS), :] = lo
            return carry

        jax.lax.fori_loop(0, n_chunks, prep, 0)

    sums[...] = jnp.zeros_like(sums)
    counts[...] = jnp.zeros_like(counts)

    c = centers[...]
    c2 = jnp.sum(c * c, axis=1)[None, :]
    iota = lax.broadcasted_iota(jnp.int32, (_ROWS, _K), 1).astype(jnp.float32)
    ones8 = jnp.ones((_ROWS, 8), jnp.bfloat16)
    dn = (((0,), (0,)), ((), ()))

    def body(i, carry):
        xb = x_ref[pl.ds(i * _ROWS, _ROWS), :]
        x2 = x2s[pl.ds(i * _ROWS, _ROWS), 0:1]
        xc = lax.dot_general(
            xb, c, (((1,), (1,)), ((), ())),
            precision=lax.Precision.DEFAULT,
            preferred_element_type=jnp.float32,
        )
        d2 = x2 + c2 - 2.0 * xc
        m = jnp.min(d2, axis=1, keepdims=True)
        masked = jnp.where(d2 <= m, iota, 4096.0)
        assign = jnp.min(masked, axis=1, keepdims=True)
        onehot = jnp.where(iota == assign, 1.0, 0.0)
        oh_bf = onehot.astype(jnp.bfloat16)
        sums[...] += (
            lax.dot_general(oh_bf, his[pl.ds(i * _ROWS, _ROWS), :], dn,
                            preferred_element_type=jnp.float32)
            + lax.dot_general(oh_bf, mids[pl.ds(i * _ROWS, _ROWS), :], dn,
                              preferred_element_type=jnp.float32)
            + lax.dot_general(oh_bf, los[pl.ds(i * _ROWS, _ROWS), :], dn,
                              preferred_element_type=jnp.float32)
        )
        counts[...] += lax.dot_general(
            oh_bf, ones8, dn,
            preferred_element_type=jnp.float32,
        )
        return carry

    for i in range(n_chunks):
        body(i, 0)

    cnt = jnp.maximum(counts[:, 0:1], 1.0)
    newc = sums[...] / cnt
    centers[...] = newc
    out_ref[...] = newc


@jax.jit
def kernel(x):
    perm = jax.random.permutation(jax.random.key(1), x.shape[0])[:_K]
    cinit = _sc_gather(x, perm.astype(jnp.int32))
    return pl.pallas_call(
        _kmeans_body,
        grid=(_MAX_ITER,),
        in_specs=[
            pl.BlockSpec((_N, _D), lambda i: (0, 0)),
            pl.BlockSpec((_K, _D), lambda i: (0, 0)),
        ],
        out_specs=pl.BlockSpec((_K, _D), lambda i: (0, 0)),
        out_shape=jax.ShapeDtypeStruct((_K, _D), jnp.float32),
        scratch_shapes=[
            pltpu.VMEM((_K, _D), jnp.float32),
            pltpu.VMEM((_K, _D), jnp.float32),
            pltpu.VMEM((_K, 8), jnp.float32),
            pltpu.VMEM((_N, 8), jnp.float32),
            pltpu.VMEM((_N, _D), jnp.bfloat16),
            pltpu.VMEM((_N, _D), jnp.bfloat16),
            pltpu.VMEM((_N, _D), jnp.bfloat16),
        ],
    )(x, cinit)

# --- scband reference (transcript-rebuilt; emitter-appended) ---
"""Pipeline reference for scband-kmeans-layer-56315611186032 (READ-ONLY COPY).

The authoritative reference and input builder live on the scoring server;
editing this copy changes nothing except your own understanding.
"""

import jax, jax.numpy as jnp
import numpy as np

N_CLUSTERS = 512
MAX_ITER = 10


def setup_inputs(seed: int = 0) -> dict:
    key = jax.random.key(seed)
    x = jax.random.normal(key, (8192, 256), dtype=jnp.float32)
    return {"x": x}


def _kmeans(x):
    N, d = x.shape
    # torch.randperm(N)[:n_clusters] -> deterministic jax permutation
    perm = jax.random.permutation(jax.random.key(1), N)[:N_CLUSTERS]
    centers = x[perm]
    for _ in range(MAX_ITER):
        # squared euclidean distances (argmin is identical to cdist argmin)
        x2 = jnp.sum(x * x, axis=1, keepdims=True)
        c2 = jnp.sum(centers * centers, axis=1)[None, :]
        d2 = x2 + c2 - 2.0 * (x @ centers.T)
        assign = jnp.argmin(d2, axis=1)
        sums = jax.ops.segment_sum(x, assign, num_segments=N_CLUSTERS)
        counts = jax.ops.segment_sum(jnp.ones((N,), dtype=x.dtype), assign, num_segments=N_CLUSTERS)
        centers = sums / jnp.maximum(counts, 1.0)[:, None]
    return centers


def reference(x):
    return _kmeans(x)

if __name__ == "__main__":
    import jax
    _d = setup_inputs()
    print(jax.jit(kernel)(*tuple(_d.values())))

</pallas_src>

<mosaic_0001>
#map = affine_map<(d0, d1) -> (0, 0)>
#map1 = affine_map<(d0, d1) -> (0)>
module attributes {stable_mosaic.version = 14 : i64} {
  func.func @_sc_gather_body(%arg0: i32, %arg1: i32, %arg2: memref<8192x256xf32, #tpu.memory_space<hbm>>, %arg3: memref<512xi32, #tpu.memory_space<hbm>>, %arg4: memref<512x256xf32, #tpu.memory_space<hbm>>, %arg5: memref<16xi32, #tpu.memory_space<vmem>>, %arg6: memref<16x256xf32, #tpu.memory_space<vmem>>, %arg7: memref<!tpu.dma_semaphore, #tpu.memory_space<semaphore_mem>>) attributes {dimension_semantics = [#tpu.dimension_semantics<core_parallel>, #tpu.dimension_semantics<subcore_parallel>], iteration_bounds = array<i64: 2, 16>, scalar_prefetch = 0 : i64, scratch_operands = 3 : i64, tpu.core_type = #tpu.core_type<sc_vector_subcore>, window_params = [{transform_indices = #map}, {transform_indices = #map1}, {transform_indices = #map}]} {
    %mul3A = arith.constant 2 : i32
    %mul3A_0 = arith.muli %arg1, %mul3A : i32
    %add3A = arith.addi %mul3A_0, %arg0 : i32
    %mul3A_1 = arith.constant 16 : i32
    %mul3A_2 = arith.muli %add3A, %mul3A_1 : i32
    "tpu.region"() ({
      %run_scoped3A = tpu.sem_alloc : memref<!tpu.dma_semaphore, #tpu.memory_space<semaphore_mem>>
      %dma_start3A_7 = tpu.memref_slice %arg3[%mul3A_2] : memref<512xi32, #tpu.memory_space<hbm>> -> memref<16xi32, #tpu.memory_space<hbm>>
      %dma_start3A_8 = tpu.memref_slice %arg3[%mul3A_2] : memref<512xi32, #tpu.memory_space<hbm>> -> memref<16xi32, #tpu.memory_space<hbm>>
      tpu.enqueue_dma source(%dma_start3A_8 : memref<16xi32, #tpu.memory_space<hbm>>) target(%arg5 : memref<16xi32, #tpu.memory_space<vmem>>) target_semaphore(%run_scoped3A : memref<!tpu.dma_semaphore, #tpu.memory_space<semaphore_mem>>)
      %dma_wait3A_9 = tpu.memref_slice %arg3[%mul3A_2] : memref<512xi32, #tpu.memory_space<hbm>> -> memref<16xi32, #tpu.memory_space<hbm>>
      %dma_wait3A_10 = tpu.memref_slice %arg3[%mul3A_2] : memref<512xi32, #tpu.memory_space<hbm>> -> memref<16xi32, #tpu.memory_space<hbm>>
      tpu.wait_dma2 semaphore(%run_scoped3A : memref<!tpu.dma_semaphore, #tpu.memory_space<semaphore_mem>>) src(%dma_wait3A_10 : memref<16xi32, #tpu.memory_space<hbm>>) dst(%arg5 : memref<16xi32, #tpu.memory_space<vmem>>)
      tpu.yield
    }) : () -> ()
    %dma_start3A = arith.constant 0 : i32
    %dma_start3A_3 = arith.constant 0 : i32
    %dma_start3A_4 = tpu.memref_slice %arg2[%dma_start3A, %dma_start3A_3] : memref<8192x256xf32, #tpu.memory_space<hbm>> -> memref<8192x256xf32, #tpu.memory_space<hbm>>
    tpu.enqueue_indirect_dma source(%dma_start3A_4 : memref<8192x256xf32, #tpu.memory_space<hbm>>) target(%arg6 : memref<16x256xf32, #tpu.memory_space<vmem>>) offsets(%arg5 : memref<16xi32, #tpu.memory_space<vmem>>) semaphore(%arg7 : memref<!tpu.dma_semaphore, #tpu.memory_space<semaphore_mem>>)
    %dma_wait3A = arith.constant 0 : i32
    %dma_wait3A_5 = arith.constant 0 : i32
    %dma_wait3A_6 = tpu.memref_slice %arg2[%dma_wait3A, %dma_wait3A_5] : memref<8192x256xf32, #tpu.memory_space<hbm>> -> memref<8192x256xf32, #tpu.memory_space<hbm>>
    tpu.wait_indirect_dma semaphore(%arg7 : memref<!tpu.dma_semaphore, #tpu.memory_space<semaphore_mem>>) src(%dma_wait3A_6 : memref<8192x256xf32, #tpu.memory_space<hbm>>) dst(%arg6 : memref<16x256xf32, #tpu.memory_space<vmem>>)
    "tpu.region"() ({
      %run_scoped3A = tpu.sem_alloc : memref<!tpu.dma_semaphore, #tpu.memory_space<semaphore_mem>>
      %dma_start3A_7 = arith.constant 0 : i32
      %dma_start3A_8 = tpu.memref_slice %arg4[%mul3A_2, %dma_start3A_7] : memref<512x256xf32, #tpu.memory_space<hbm>> -> memref<16x256xf32, #tpu.memory_space<hbm>>
      %dma_start3A_9 = arith.constant 0 : i32
      %dma_start3A_10 = tpu.memref_slice %arg4[%mul3A_2, %dma_start3A_9] : memref<512x256xf32, #tpu.memory_space<hbm>> -> memref<16x256xf32, #tpu.memory_space<hbm>>
      tpu.enqueue_dma source(%arg6 : memref<16x256xf32, #tpu.memory_space<vmem>>) target(%dma_start3A_10 : memref<16x256xf32, #tpu.memory_space<hbm>>) target_semaphore(%run_scoped3A : memref<!tpu.dma_semaphore, #tpu.memory_space<semaphore_mem>>)
      %dma_wait3A_11 = arith.constant 0 : i32
      %dma_wait3A_12 = tpu.memref_slice %arg4[%mul3A_2, %dma_wait3A_11] : memref<512x256xf32, #tpu.memory_space<hbm>> -> memref<16x256xf32, #tpu.memory_space<hbm>>
      %dma_wait3A_13 = arith.constant 0 : i32
      %dma_wait3A_14 = tpu.memref_slice %arg4[%mul3A_2, %dma_wait3A_13] : memref<512x256xf32, #tpu.memory_space<hbm>> -> memref<16x256xf32, #tpu.memory_space<hbm>>
      tpu.wait_dma2 semaphore(%run_scoped3A : memref<!tpu.dma_semaphore, #tpu.memory_space<semaphore_mem>>) src(%arg6 : memref<16x256xf32, #tpu.memory_space<vmem>>) dst(%dma_wait3A_14 : memref<16x256xf32, #tpu.memory_space<hbm>>)
      tpu.yield
    }) : () -> ()
    return
  }
}

module attributes {stable_mosaic.version = 14 : i64} {
  func.func @_kmeans_body(%arg0: i32, %arg1: memref<8192x256xf32, #tpu.memory_space<vmem>>, %arg2: memref<512x256xf32, #tpu.memory_space<vmem>>, %arg3: memref<512x256xf32, #tpu.memory_space<vmem>>, %arg4: memref<512x256xf32, #tpu.memory_space<vmem>>, %arg5: memref<512x256xf32, #tpu.memory_space<vmem>>, %arg6: memref<512x8xf32, #tpu.memory_space<vmem>>, %arg7: memref<8192x8xf32, #tpu.memory_space<vmem>>, %arg8: memref<8192x256xbf16, #tpu.memory_space<vmem>>, %arg9: memref<8192x256xbf16, #tpu.memory_space<vmem>>, %arg10: memref<8192x256xbf16, #tpu.memory_space<vmem>>) attributes {dimension_semantics = [#tpu.dimension_semantics<arbitrary>], iteration_bounds = array<i64: 10>, scalar_prefetch = 0 : i64, scratch_operands = 7 : i64, tpu.core_type = #tpu.core_type<tc>, window_params = [{pipeline_mode = #tpu.pipeline_mode<synchronous>, transform_indices = @transform_0, window_bounds = array<i64: 8192, 256>}, {pipeline_mode = #tpu.pipeline_mode<synchronous>, transform_indices = @transform_1, window_bounds = array<i64: 512, 256>}, {pipeline_mode = #tpu.pipeline_mode<synchronous>, transform_indices = @transform_2, window_bounds = array<i64: 512, 256>}]} {
    %eq3A = arith.constant 0 : i32
    %eq3A_0 = arith.cmpi eq, %arg0, %eq3A : i32
    %convert_element_type3A = arith.extui %eq3A_0 : i1 to i32
    %cond3A = arith.constant 0 : i32
    %cond3A_1 = arith.cmpi ne, %convert_element_type3A, %cond3A : i32
    scf.if %cond3A_1 {
      %get3A_561 = arith.constant 0 : index
      %get3A_562 = arith.constant 0 : index
      %get3A_563 = vector.load %arg2[%get3A_561, %get3A_562] : memref<512x256xf32, #tpu.memory_space<vmem>>, vector<512x256xf32>
      %swap3A_564 = arith.constant 0 : index
      %swap3A_565 = arith.constant 0 : index
      %swap3A_566 = vector.load %arg4[%swap3A_564, %swap3A_565] : memref<512x256xf32, #tpu.memory_space<vmem>>, vector<512x256xf32>
      tpu.vector_store %arg4[%swap3A_564, %swap3A_565], %get3A_563 {strides = array<i32>} : memref<512x256xf32, #tpu.memory_space<vmem>>, vector<512x256xf32>,
      %scan3A = arith.constant 0 : i32
      %scan3A_567 = arith.constant 8 : i32
      %scan3A_568 = arith.addi %scan3A, %scan3A_567 : i32
      %scan3A_569 = arith.constant 1 : i32
      scf.for %scan3A_571 = %scan3A to %scan3A_568 step %scan3A_569  : i32 {
        %mul3A_572 = arith.constant 1024 : i32
        %mul3A_573 = arith.muli %scan3A_571, %mul3A_572 : i32
        %get3A_574 = arith.index_cast %mul3A_573 : i32 to index
        %get3A_575 = arith.constant 0 : index
        %get3A_576 = vector.load %arg1[%get3A_574, %get3A_575] : memref<8192x256xf32, #tpu.memory_space<vmem>>, vector<1024x256xf32>
        %mul3A_577 = arith.mulf %get3A_576, %get3A_576 : vector<1024x256xf32>
        %reduce_sum3A_578 = arith.constant dense<0.000000e+00> : vector<1024xf32>
        %reduce_sum3A_579 = vector.multi_reduction <add>, %mul3A_577, %reduce_sum3A_578 [1] : vector<1024x256xf32> to vector<1024xf32>
        %broadcast_in_dim3A_580 = vector.shape_cast %reduce_sum3A_579 : vector<1024xf32> to vector<1024x1xf32>
        %broadcast_in_dim3A_581 = vector.shape_cast %broadcast_in_dim3A_580 : vector<1024x1xf32> to vector<1024x1xf32>
        %broadcast_in_dim3A_582 = vector.broadcast %broadcast_in_dim3A_581 : vector<1024x1xf32> to vector<1024x8xf32>
        %mul3A_583 = arith.constant 1024 : i32
        %mul3A_584 = arith.muli %scan3A_571, %mul3A_583 : i32
        %swap3A_585 = arith.index_cast %mul3A_584 : i32 to index
        %swap3A_586 = arith.constant 0 : index
        %swap3A_587 = vector.load %arg7[%swap3A_585, %swap3A_586] : memref<8192x8xf32, #tpu.memory_space<vmem>>, vector<1024x8xf32>
        tpu.vector_store %arg7[%swap3A_585, %swap3A_586], %broadcast_in_dim3A_582 {strides = array<i32>} : memref<8192x8xf32, #tpu.memory_space<vmem>>, vector<1024x8xf32>,
        %convert_element_type3A_588 = arith.truncf %get3A_576 : vector<1024x256xf32> to vector<1024x256xbf16>
        %convert_element_type3A_589 = arith.extf %convert_element_type3A_588 : vector<1024x256xbf16> to vector<1024x256xf32>
        %sub3A_590 = arith.subf %get3A_576, %convert_element_type3A_589 : vector<1024x256xf32>
        %convert_element_type3A_591 = arith.truncf %sub3A_590 : vector<1024x256xf32> to vector<1024x256xbf16>
        %convert_element_type3A_592 = arith.extf %convert_element_type3A_591 : vector<1024x256xbf16> to vector<1024x256xf32>
        %sub3A_593 = arith.subf %sub3A_590, %convert_element_type3A_592 : vector<1024x256xf32>
        %convert_element_type3A_594 = arith.truncf %sub3A_593 : vector<1024x256xf32> to vector<1024x256xbf16>
        %mul3A_595 = arith.constant 1024 : i32
        %mul3A_596 = arith.muli %scan3A_571, %mul3A_595 : i32
        %swap3A_597 = arith.index_cast %mul3A_596 : i32 to index
        %swap3A_598 = arith.constant 0 : index
        %swap3A_599 = vector.load %arg8[%swap3A_597, %swap3A_598] : memref<8192x256xbf16, #tpu.memory_space<vmem>>, vector<1024x256xbf16>
        tpu.vector_store %arg8[%swap3A_597, %swap3A_598], %convert_element_type3A_588 {strides = array<i32>} : memref<8192x256xbf16, #tpu.memory_space<vmem>>, vector<1024x256xbf16>,
        %mul3A_600 = arith.constant 1024 : i32
        %mul3A_601 = arith.muli %scan3A_571, %mul3A_600 : i32
        %swap3A_602 = arith.index_cast %mul3A_601 : i32 to index
        %swap3A_603 = arith.constant 0 : index
        %swap3A_604 = vector.load %arg9[%swap3A_602, %swap3A_603] : memref<8192x256xbf16, #tpu.memory_space<vmem>>, vector<1024x256xbf16>
        tpu.vector_store %arg9[%swap3A_602, %swap3A_603], %convert_element_type3A_591 {strides = array<i32>} : memref<8192x256xbf16, #tpu.memory_space<vmem>>, vector<1024x256xbf16>,
        %mul3A_605 = arith.constant 1024 : i32
        %mul3A_606 = arith.muli %scan3A_571, %mul3A_605 : i32
        %swap3A_607 = arith.index_cast %mul3A_606 : i32 to index
        %swap3A_608 = arith.constant 0 : index
        %swap3A_609 = vector.load %arg10[%swap3A_607, %swap3A_608] : memref<8192x256xbf16, #tpu.memory_space<vmem>>, vector<1024x256xbf16>
        tpu.vector_store %arg10[%swap3A_607, %swap3A_608], %convert_element_type3A_594 {strides = array<i32>} : memref<8192x256xbf16, #tpu.memory_space<vmem>>, vector<1024x256xbf16>,
      }
      %scan3A_570 = arith.constant 8 : i32
    } else {
    }
    %broadcast_in_dim3A = arith.constant 0.000000e+00 : f32
    %broadcast_in_dim3A_2 = vector.broadcast %broadcast_in_dim3A : f32 to vector<512x256xf32>
    %swap3A = arith.constant 0 : index
    %swap3A_3 = arith.constant 0 : index
    %swap3A_4 = vector.load %arg5[%swap3A, %swap3A_3] : memref<512x256xf32, #tpu.memory_space<vmem>>, vector<512x256xf32>
    tpu.vector_store %arg5[%swap3A, %swap3A_3], %broadcast_in_dim3A_2 {strides = array<i32>} : memref<512x256xf32, #tpu.memory_space<vmem>>, vector<512x256xf32>,
    %broadcast_in_dim3A_5 = arith.constant 0.000000e+00 : f32
    %broadcast_in_dim3A_6 = vector.broadcast %broadcast_in_dim3A_5 : f32 to vector<512x8xf32>
    %swap3A_7 = arith.constant 0 : index
    %swap3A_8 = arith.constant 0 : index
    %swap3A_9 = vector.load %arg6[%swap3A_7, %swap3A_8] : memref<512x8xf32, #tpu.memory_space<vmem>>, vector<512x8xf32>
    tpu.vector_store %arg6[%swap3A_7, %swap3A_8], %broadcast_in_dim3A_6 {strides = array<i32>} : memref<512x8xf32, #tpu.memory_space<vmem>>, vector<512x8xf32>,
    %get3A = arith.constant 0 : index
    %get3A_10 = arith.constant 0 : index
    %get3A_11 = vector.load %arg4[%get3A, %get3A_10] : memref<512x256xf32, #tpu.memory_space<vmem>>, vector<512x256xf32>
    %mul3A = arith.mulf %get3A_11, %get3A_11 : vector<512x256xf32>
    %reduce_sum3A = arith.constant dense<0.000000e+00> : vector<512xf32>
    %reduce_sum3A_12 = vector.multi_reduction <add>, %mul3A, %reduce_sum3A [1] : vector<512x256xf32> to vector<512xf32>
    %broadcast_in_dim3A_13 = vector.shape_cast %reduce_sum3A_12 : vector<512xf32> to vector<1x512xf32>
    %iota3A = tpu.iota {dimensions = array<i32: 1>} : vector<1024x512xi32>
    %convert_element_type3A_14 = arith.sitofp %iota3A : vector<1024x512xi32> to vector<1024x512xf32>
    %broadcast_in_dim3A_15 = arith.constant 1.000000e+00 : bf16
    %broadcast_in_dim3A_16 = vector.broadcast %broadcast_in_dim3A_15 : bf16 to vector<1024x8xbf16>
    %get3A_17 = arith.constant 0 : index
    %get3A_18 = arith.constant 0 : index
    %get3A_19 = vector.load %arg1[%get3A_17, %get3A_18] : memref<8192x256xf32, #tpu.memory_space<vmem>>, vector<1024x256xf32>
    %get3A_20 = arith.constant 0 : index
    %get3A_21 = arith.constant 0 : index
    %get3A_22 = vector.load %arg7[%get3A_20, %get3A_21] : memref<8192x8xf32, #tpu.memory_space<vmem>>, vector<1024x1xf32>
    %dot_general3A = arith.constant dense<0.000000e+00> : vector<1024x512xf32>
    %dot_general3A_23 = tpu.matmul %get3A_19, %get3A_11, %dot_general3A {dimension_numbers = #tpu.dot_dimension_numbers<[1], [1], [0], [0], [0, 0, 1, 0], [], []>, transpose_lhs_hint = false} : vector<1024x256xf32>, vector<512x256xf32>, vector<1024x512xf32> -> vector<1024x512xf32>
    %add3A = vector.broadcast %get3A_22 : vector<1024x1xf32> to vector<1024x512xf32>
    %add3A_24 = vector.broadcast %broadcast_in_dim3A_13 : vector<1x512xf32> to vector<1024x512xf32>
    %add3A_25 = arith.addf %add3A, %add3A_24 : vector<1024x512xf32>
    %mul3A_26 = arith.constant 2.000000e+00 : f32
    %mul3A_27 = vector.broadcast %mul3A_26 : f32 to vector<1024x512xf32>
    %mul3A_28 = arith.mulf %mul3A_27, %dot_general3A_23 : vector<1024x512xf32>
    %sub3A = arith.subf %add3A_25, %mul3A_28 : vector<1024x512xf32>
    %reduce_min3A = arith.constant dense<0x7F800000> : vector<1024xf32>
    %reduce_min3A_29 = vector.multi_reduction <minimumf>, %sub3A, %reduce_min3A [1] : vector<1024x512xf32> to vector<1024xf32>
    %broadcast_in_dim3A_30 = vector.shape_cast %reduce_min3A_29 : vector<1024xf32> to vector<1024x1xf32>
    %le3A = vector.broadcast %broadcast_in_dim3A_30 : vector<1024x1xf32> to vector<1024x512xf32>
    %le3A_31 = arith.cmpf ole, %sub3A, %le3A : vector<1024x512xf32>
    %jit3A = arith.constant 4.096000e+03 : f32
    %broadcast_in_dim3A_32 = vector.broadcast %jit3A : f32 to vector<1024x512xf32>
    %select_n3A = arith.select %le3A_31, %convert_element_type3A_14, %broadcast_in_dim3A_32 : vector<1024x512xi1>, vector<1024x512xf32>
    %reduce_min3A_33 = arith.constant dense<0x7F800000> : vector<1024xf32>
    %reduce_min3A_34 = vector.multi_reduction <minimumf>, %select_n3A, %reduce_min3A_33 [1] : vector<1024x512xf32> to vector<1024xf32>
    %broadcast_in_dim3A_35 = vector.shape_cast %reduce_min3A_34 : vector<1024xf32> to vector<1024x1xf32>
    %eq3A_36 = vector.broadcast %broadcast_in_dim3A_35 : vector<1024x1xf32> to vector<1024x512xf32>
    %eq3A_37 = arith.cmpf oeq, %convert_element_type3A_14, %eq3A_36 : vector<1024x512xf32>
    %jit3A_38 = arith.constant 1.000000e+00 : f32
    %jit3A_39 = arith.constant 0.000000e+00 : f32
    %broadcast_in_dim3A_40 = vector.broadcast %jit3A_38 : f32 to vector<1024x512xf32>
    %broadcast_in_dim3A_41 = vector.broadcast %jit3A_39 : f32 to vector<1024x512xf32>
    %select_n3A_42 = arith.select %eq3A_37, %broadcast_in_dim3A_40, %broadcast_in_dim3A_41 : vector<1024x512xi1>, vector<1024x512xf32>
    %convert_element_type3A_43 = arith.truncf %select_n3A_42 : vector<1024x512xf32> to vector<1024x512xbf16>
    %get3A_44 = arith.constant 0 : index
    %get3A_45 = arith.constant 0 : index
    %get3A_46 = vector.load %arg5[%get3A_44, %get3A_45] : memref<512x256xf32, #tpu.memory_space<vmem>>, vector<512x256xf32>
    %get3A_47 = arith.constant 0 : index
    %get3A_48 = arith.constant 0 : index
    %get3A_49 = vector.load %arg8[%get3A_47, %get3A_48] : memref<8192x256xbf16, #tpu.memory_space<vmem>>, vector<1024x256xbf16>
    %dot_general3A_50 = arith.constant dense<0.000000e+00> : vector<512x256xf32>
    %dot_general3A_51 = tpu.matmul %convert_element_type3A_43, %get3A_49, %dot_general3A_50 {dimension_numbers = #tpu.dot_dimension_numbers<[0], [0], [1], [1], [0, 1, 1, 1], [], []>, transpose_lhs_hint = false} : vector<1024x512xbf16>, vector<1024x256xbf16>, vector<512x256xf32> -> vector<512x256xf32>
    %get3A_52 = arith.constant 0 : index
    %get3A_53 = arith.constant 0 : index
    %get3A_54 = vector.load %arg9[%get3A_52, %get3A_53] : memref<8192x256xbf16, #tpu.memory_space<vmem>>, vector<1024x256xbf16>
    %dot_general3A_55 = arith.constant dense<0.000000e+00> : vector<512x256xf32>
    %dot_general3A_56 = tpu.matmul %convert_element_type3A_43, %get3A_54, %dot_general3A_55 {dimension_numbers = #tpu.dot_dimension_numbers<[0], [0], [1], [1], [0, 1, 1, 1], [], []>, transpose_lhs_hint = false} : vector<1024x512xbf16>, vector<1024x256xbf16>, vector<512x256xf32> -> vector<512x256xf32>
    %add3A_57 = arith.addf %dot_general3A_51, %dot_general3A_56 : vector<512x256xf32>
    %get3A_58 = arith.constant 0 : index
    %get3A_59 = arith.constant 0 : index
    %get3A_60 = vector.load %arg10[%get3A_58, %get3A_59] : memref<8192x256xbf16, #tpu.memory_space<vmem>>, vector<1024x256xbf16>
    %dot_general3A_61 = arith.constant dense<0.000000e+00> : vector<512x256xf32>
    %dot_general3A_62 = tpu.matmul %convert_element_type3A_43, %get3A_60, %dot_general3A_61 {dimension_numbers = #tpu.dot_dimension_numbers<[0], [0], [1], [1], [0, 1, 1, 1], [], []>, transpose_lhs_hint = false} : vector<1024x512xbf16>, vector<1024x256xbf16>, vector<512x256xf32> -> vector<512x256xf32>
    %add3A_63 = arith.addf %add3A_57, %dot_general3A_62 : vector<512x256xf32>
    %add3A_64 = arith.addf %get3A_46, %add3A_63 : vector<512x256xf32>
    %swap3A_65 = arith.constant 0 : index
    %swap3A_66 = arith.constant 0 : index
    %swap3A_67 = vector.load %arg5[%swap3A_65, %swap3A_66] : memref<512x256xf32, #tpu.memory_space<vmem>>, vector<512x256xf32>
    tpu.vector_store %arg5[%swap3A_65, %swap3A_66], %add3A_64 {strides = array<i32>} : memref<512x256xf32, #tpu.memory_space<vmem>>, vector<512x256xf32>,
    %get3A_68 = arith.constant 0 : index
    %get3A_69 = arith.constant 0 : index
    %get3A_70 = vector.load %arg6[%get3A_68, %get3A_69] : memref<512x8xf32, #tpu.memory_space<vmem>>, vector<512x8xf32>
    %dot_general3A_71 = arith.constant dense<0.000000e+00> : vector<512x8xf32>
    %dot_general3A_72 = tpu.matmul %convert_element_type3A_43, %broadcast_in_dim3A_16, %dot_general3A_71 {dimension_numbers = #tpu.dot_dimension_numbers<[0], [0], [1], [1], [0, 1, 1, 1], [], []>, transpose_lhs_hint = false} : vector<1024x512xbf16>, vector<1024x8xbf16>, vector<512x8xf32> -> vector<512x8xf32>
    %add3A_73 = arith.addf %get3A_70, %dot_general3A_72 : vector<512x8xf32>
    %swap3A_74 = arith.constant 0 : index
    %swap3A_75 = arith.constant 0 : index
    %swap3A_76 = vector.load %arg6[%swap3A_74, %swap3A_75] : memref<512x8xf32, #tpu.memory_space<vmem>>, vector<512x8xf32>
    tpu.vector_store %arg6[%swap3A_74, %swap3A_75], %add3A_73 {strides = array<i32>} : memref<512x8xf32, #tpu.memory_space<vmem>>, vector<512x8xf32>,
    %get3A_77 = arith.constant 1024 : index
    %get3A_78 = arith.constant 0 : index
    %get3A_79 = vector.load %arg1[%get3A_77, %get3A_78] : memref<8192x256xf32, #tpu.memory_space<vmem>>, vector<1024x256xf32>
    %get3A_80 = arith.constant 1024 : index
    %get3A_81 = arith.constant 0 : index
    %get3A_82 = vector.load %arg7[%get3A_80, %get3A_81] : memref<8192x8xf32, #tpu.memory_space<vmem>>, vector<1024x1xf32>
    %dot_general3A_83 = arith.constant dense<0.000000e+00> : vector<1024x512xf32>
    %dot_general3A_84 = tpu.matmul %get3A_79, %get3A_11, %dot_general3A_83 {dimension_numbers = #tpu.dot_dimension_numbers<[1], [1], [0], [0], [0, 0, 1, 0], [], []>, transpose_lhs_hint = false} : vector<1024x256xf32>, vector<512x256xf32>, vector<1024x512xf32> -> vector<1024x512xf32>
    %add3A_85 = vector.broadcast %get3A_82 : vector<1024x1xf32> to vector<1024x512xf32>
    %add3A_86 = vector.broadcast %broadcast_in_dim3A_13 : vector<1x512xf32> to vector<1024x512xf32>
    %add3A_87 = arith.addf %add3A_85, %add3A_86 : vector<1024x512xf32>
    %mul3A_88 = arith.constant 2.000000e+00 : f32
    %mul3A_89 = vector.broadcast %mul3A_88 : f32 to vector<1024x512xf32>
    %mul3A_90 = arith.mulf %mul3A_89, %dot_general3A_84 : vector<1024x512xf32>
    %sub3A_91 = arith.subf %add3A_87, %mul3A_90 : vector<1024x512xf32>
    %reduce_min3A_92 = arith.constant dense<0x7F800000> : vector<1024xf32>
    %reduce_min3A_93 = vector.multi_reduction <minimumf>, %sub3A_91, %reduce_min3A_92 [1] : vector<1024x512xf32> to vector<1024xf32>
    %broadcast_in_dim3A_94 = vector.shape_cast %reduce_min3A_93 : vector<1024xf32> to vector<1024x1xf32>
    %le3A_95 = vector.broadcast %broadcast_in_dim3A_94 : vector<1024x1xf32> to vector<1024x512xf32>
    %le3A_96 = arith.cmpf ole, %sub3A_91, %le3A_95 : vector<1024x512xf32>
    %jit3A_97 = arith.constant 4.096000e+03 : f32
    %broadcast_in_dim3A_98 = vector.broadcast %jit3A_97 : f32 to vector<1024x512xf32>
    %select_n3A_99 = arith.select %le3A_96, %convert_element_type3A_14, %broadcast_in_dim3A_98 : vector<1024x512xi1>, vector<1024x512xf32>
    %reduce_min3A_100 = arith.constant dense<0x7F800000> : vector<1024xf32>
    %reduce_min3A_101 = vector.multi_reduction <minimumf>, %select_n3A_99, %reduce_min3A_100 [1] : vector<1024x512xf32> to vector<1024xf32>
    %broadcast_in_dim3A_102 = vector.shape_cast %reduce_min3A_101 : vector<1024xf32> to vector<1024x1xf32>
    %eq3A_103 = vector.broadcast %broadcast_in_dim3A_102 : vector<1024x1xf32> to vector<1024x512xf32>
    %eq3A_104 = arith.cmpf oeq, %convert_element_type3A_14, %eq3A_103 : vector<1024x512xf32>
    %jit3A_105 = arith.constant 1.000000e+00 : f32
    %jit3A_106 = arith.constant 0.000000e+00 : f32
    %broadcast_in_dim3A_107 = vector.broadcast %jit3A_105 : f32 to vector<1024x512xf32>
    %broadcast_in_dim3A_108 = vector.broadcast %jit3A_106 : f32 to vector<1024x512xf32>
    %select_n3A_109 = arith.select %eq3A_104, %broadcast_in_dim3A_107, %broadcast_in_dim3A_108 : vector<1024x512xi1>, vector<1024x512xf32>
    %convert_element_type3A_110 = arith.truncf %select_n3A_109 : vector<1024x512xf32> to vector<1024x512xbf16>
    %get3A_111 = arith.constant 0 : index
    %get3A_112 = arith.constant 0 : index
    %get3A_113 = vector.load %arg5[%get3A_111, %get3A_112] : memref<512x256xf32, #tpu.memory_space<vmem>>, vector<512x256xf32>
    %get3A_114 = arith.constant 1024 : index
    %get3A_115 = arith.constant 0 : index
    %get3A_116 = vector.load %arg8[%get3A_114, %get3A_115] : memref<8192x256xbf16, #tpu.memory_space<vmem>>, vector<1024x256xbf16>
    %dot_general3A_117 = arith.constant dense<0.000000e+00> : vector<512x256xf32>
    %dot_general3A_118 = tpu.matmul %convert_element_type3A_110, %get3A_116, %dot_general3A_117 {dimension_numbers = #tpu.dot_dimension_numbers<[0], [0], [1], [1], [0, 1, 1, 1], [], []>, transpose_lhs_hint = false} : vector<1024x512xbf16>, vector<1024x256xbf16>, vector<512x256xf32> -> vector<512x256xf32>
    %get3A_119 = arith.constant 1024 : index
    %get3A_120 = arith.constant 0 : index
    %get3A_121 = vector.load %arg9[%get3A_119, %get3A_120] : memref<8192x256xbf16, #tpu.memory_space<vmem>>, vector<1024x256xbf16>
    %dot_general3A_122 = arith.constant dense<0.000000e+00> : vector<512x256xf32>
    %dot_general3A_123 = tpu.matmul %convert_element_type3A_110, %get3A_121, %dot_general3A_122 {dimension_numbers = #tpu.dot_dimension_numbers<[0], [0], [1], [1], [0, 1, 1, 1], [], []>, transpose_lhs_hint = false} : vector<1024x512xbf16>, vector<1024x256xbf16>, vector<512x256xf32> -> vector<512x256xf32>
    %add3A_124 = arith.addf %dot_general3A_118, %dot_general3A_123 : vector<512x256xf32>
    %get3A_125 = arith.constant 1024 : index
    %get3A_126 = arith.constant 0 : index
    %get3A_127 = vector.load %arg10[%get3A_125, %get3A_126] : memref<8192x256xbf16, #tpu.memory_space<vmem>>, vector<1024x256xbf16>
    %dot_general3A_128 = arith.constant dense<0.000000e+00> : vector<512x256xf32>
    %dot_general3A_129 = tpu.matmul %convert_element_type3A_110, %get3A_127, %dot_general3A_128 {dimension_numbers = #tpu.dot_dimension_numbers<[0], [0], [1], [1], [0, 1, 1, 1], [], []>, transpose_lhs_hint = false} : vector<1024x512xbf16>, vector<1024x256xbf16>, vector<512x256xf32> -> vector<512x256xf32>
    %add3A_130 = arith.addf %add3A_124, %dot_general3A_129 : vector<512x256xf32>
    %add3A_131 = arith.addf %get3A_113, %add3A_130 : vector<512x256xf32>
    %swap3A_132 = arith.constant 0 : index
    %swap3A_133 = arith.constant 0 : index
    %swap3A_134 = vector.load %arg5[%swap3A_132, %swap3A_133] : memref<512x256xf32, #tpu.memory_space<vmem>>, vector<512x256xf32>
    tpu.vector_store %arg5[%swap3A_132, %swap3A_133], %add3A_131 {strides = array<i32>} : memref<512x256xf32, #tpu.memory_space<vmem>>, vector<512x256xf32>,
    %get3A_135 = arith.constant 0 : index
    %get3A_136 = arith.constant 0 : index
    %get3A_137 = vector.load %arg6[%get3A_135, %get3A_136] : memref<512x8xf32, #tpu.memory_space<vmem>>, vector<512x8xf32>
    %dot_general3A_138 = arith.constant dense<0.000000e+00> : vector<512x8xf32>
    %dot_general3A_139 = tpu.matmul %convert_element_type3A_110, %broadcast_in_dim3A_16, %dot_general3A_138 {dimension_numbers = #tpu.dot_dimension_numbers<[0], [0], [1], [1], [0, 1, 1, 1], [], []>, transpose_lhs_hint = false} : vector<1024x512xbf16>, vector<1024x8xbf16>, vector<512x8xf32> -> vector<512x8xf32>
    %add3A_140 = arith.addf %get3A_137, %dot_general3A_139 : vector<512x8xf32>
    %swap3A_141 = arith.constant 0 : index
    %swap3A_142 = arith.constant 0 : index
    %swap3A_143 = vector.load %arg6[%swap3A_141, %swap3A_142] : memref<512x8xf32, #tpu.memory_space<vmem>>, vector<512x8xf32>
    tpu.vector_store %arg6[%swap3A_141, %swap3A_142], %add3A_140 {strides = array<i32>} : memref<512x8xf32, #tpu.memory_space<vmem>>, vector<512x8xf32>,
    %get3A_144 = arith.constant 2048 : index
    %get3A_145 = arith.constant 0 : index
    %get3A_146 = vector.load %arg1[%get3A_144, %get3A_145] : memref<8192x256xf32, #tpu.memory_space<vmem>>, vector<1024x256xf32>
    %get3A_147 = arith.constant 2048 : index
    %get3A_148 = arith.constant 0 : index
    %get3A_149 = vector.load %arg7[%get3A_147, %get3A_148] : memref<8192x8xf32, #tpu.memory_space<vmem>>, vector<1024x1xf32>
    %dot_general3A_150 = arith.constant dense<0.000000e+00> : vector<1024x512xf32>
    %dot_general3A_151 = tpu.matmul %get3A_146, %get3A_11, %dot_general3A_150 {dimension_numbers = #tpu.dot_dimension_numbers<[1], [1], [0], [0], [0, 0, 1, 0], [], []>, transpose_lhs_hint = false} : vector<1024x256xf32>, vector<512x256xf32>, vector<1024x512xf32> -> vector<1024x512xf32>
    %add3A_152 = vector.broadcast %get3A_149 : vector<1024x1xf32> to vector<1024x512xf32>
    %add3A_153 = vector.broadcast %broadcast_in_dim3A_13 : vector<1x512xf32> to vector<1024x512xf32>
    %add3A_154 = arith.addf %add3A_152, %add3A_153 : vector<1024x512xf32>
    %mul3A_155 = arith.constant 2.000000e+00 : f32
    %mul3A_156 = vector.broadcast %mul3A_155 : f32 to vector<1024x512xf32>
    %mul3A_157 = arith.mulf %mul3A_156, %dot_general3A_151 : vector<1024x512xf32>
    %sub3A_158 = arith.subf %add3A_154, %mul3A_157 : vector<1024x512xf32>
    %reduce_min3A_159 = arith.constant dense<0x7F800000> : vector<1024xf32>
    %reduce_min3A_160 = vector.multi_reduction <minimumf>, %sub3A_158, %reduce_min3A_159 [1] : vector<1024x512xf32> to vector<1024xf32>
    %broadcast_in_dim3A_161 = vector.shape_cast %reduce_min3A_160 : vector<1024xf32> to vector<1024x1xf32>
    %le3A_162 = vector.broadcast %broadcast_in_dim3A_161 : vector<1024x1xf32> to vector<1024x512xf32>
    %le3A_163 = arith.cmpf ole, %sub3A_158, %le3A_162 : vector<1024x512xf32>
    %jit3A_164 = arith.constant 4.096000e+03 : f32
    %broadcast_in_dim3A_165 = vector.broadcast %jit3A_164 : f32 to vector<1024x512xf32>
    %select_n3A_166 = arith.select %le3A_163, %convert_element_type3A_14, %broadcast_in_dim3A_165 : vector<1024x512xi1>, vector<1024x512xf32>
    %reduce_min3A_167 = arith.constant dense<0x7F800000> : vector<1024xf32>
    %reduce_min3A_168 = vector.multi_reduction <minimumf>, %select_n3A_166, %reduce_min3A_167 [1] : vector<1024x512xf32> to vector<1024xf32>
    %broadcast_in_dim3A_169 = vector.shape_cast %reduce_min3A_168 : vector<1024xf32> to vector<1024x1xf32>
    %eq3A_170 = vector.broadcast %broadcast_in_dim3A_169 : vector<1024x1xf32> to vector<1024x512xf32>
    %eq3A_171 = arith.cmpf oeq, %convert_element_type3A_14, %eq3A_170 : vector<1024x512xf32>
    %jit3A_172 = arith.constant 1.000000e+00 : f32
    %jit3A_173 = arith.constant 0.000000e+00 : f32
    %broadcast_in_dim3A_174 = vector.broadcast %jit3A_172 : f32 to vector<1024x512xf32>
    %broadcast_in_dim3A_175 = vector.broadcast %jit3A_173 : f32 to vector<1024x512xf32>
    %select_n3A_176 = arith.select %eq3A_171, %broadcast_in_dim3A_174, %broadcast_in_dim3A_175 : vector<1024x512xi1>, vector<1024x512xf32>
    %convert_element_type3A_177 = arith.truncf %select_n3A_176 : vector<1024x512xf32> to vector<1024x512xbf16>
    %get3A_178 = arith.constant 0 : index
    %get3A_179 = arith.constant 0 : index
    %get3A_180 = vector.load %arg5[%get3A_178, %get3A_179] : memref<512x256xf32, #tpu.memory_space<vmem>>, vector<512x256xf32>
    %get3A_181 = arith.constant 2048 : index
    %get3A_182 = arith.constant 0 : index
    %get3A_183 = vector.load %arg8[%get3A_181, %get3A_182] : memref<8192x256xbf16, #tpu.memory_space<vmem>>, vector<1024x256xbf16>
    %dot_general3A_184 = arith.constant dense<0.000000e+00> : vector<512x256xf32>
    %dot_general3A_185 = tpu.matmul %convert_element_type3A_177, %get3A_183, %dot_general3A_184 {dimension_numbers = #tpu.dot_dimension_numbers<[0], [0], [1], [1], [0, 1, 1, 1], [], []>, transpose_lhs_hint = false} : vector<1024x512xbf16>, vector<1024x256xbf16>, vector<512x256xf32> -> vector<512x256xf32>
    %get3A_186 = arith.constant 2048 : index
    %get3A_187 = arith.constant 0 : index
    %get3A_188 = vector.load %arg9[%get3A_186, %get3A_187] : memref<8192x256xbf16, #tpu.memory_space<vmem>>, vector<1024x256xbf16>
    %dot_general3A_189 = arith.constant dense<0.000000e+00> : vector<512x256xf32>
    %dot_general3A_190 = tpu.matmul %convert_element_type3A_177, %get3A_188, %dot_general3A_189 {dimension_numbers = #tpu.dot_dimension_numbers<[0], [0], [1], [1], [0, 1, 1, 1], [], []>, transpose_lhs_hint = false} : vector<1024x512xbf16>, vector<1024x256xbf16>, vector<512x256xf32> -> vector<512x256xf32>
    %add3A_191 = arith.addf %dot_general3A_185, %dot_general3A_190 : vector<512x256xf32>
    %get3A_192 = arith.constant 2048 : index
    %get3A_193 = arith.constant 0 : index
    %get3A_194 = vector.load %arg10[%get3A_192, %get3A_193] : memref<8192x256xbf16, #tpu.memory_space<vmem>>, vector<1024x256xbf16>
    %dot_general3A_195 = arith.constant dense<0.000000e+00> : vector<512x256xf32>
    %dot_general3A_196 = tpu.matmul %convert_element_type3A_177, %get3A_194, %dot_general3A_195 {dimension_numbers = #tpu.dot_dimension_numbers<[0], [0], [1], [1], [0, 1, 1, 1], [], []>, transpose_lhs_hint = false} : vector<1024x512xbf16>, vector<1024x256xbf16>, vector<512x256xf32> -> vector<512x256xf32>
    %add3A_197 = arith.addf %add3A_191, %dot_general3A_196 : vector<512x256xf32>
    %add3A_198 = arith.addf %get3A_180, %add3A_197 : vector<512x256xf32>
    %swap3A_199 = arith.constant 0 : index
    %swap3A_200 = arith.constant 0 : index
    %swap3A_201 = vector.load %arg5[%swap3A_199, %swap3A_200] : memref<512x256xf32, #tpu.memory_space<vmem>>, vector<512x256xf32>
    tpu.vector_store %arg5[%swap3A_199, %swap3A_200], %add3A_198 {strides = array<i32>} : memref<512x256xf32, #tpu.memory_space<vmem>>, vector<512x256xf32>,
    %get3A_202 = arith.constant 0 : index
    %get3A_203 = arith.constant 0 : index
    %get3A_204 = vector.load %arg6[%get3A_202, %get3A_203] : memref<512x8xf32, #tpu.memory_space<vmem>>, vector<512x8xf32>
    %dot_general3A_205 = arith.constant dense<0.000000e+00> : vector<512x8xf32>
    %dot_general3A_206 = tpu.matmul %convert_element_type3A_177, %broadcast_in_dim3A_16, %dot_general3A_205 {dimension_numbers = #tpu.dot_dimension_numbers<[0], [0], [1], [1], [0, 1, 1, 1], [], []>, transpose_lhs_hint = false} : vector<1024x512xbf16>, vector<1024x8xbf16>, vector<512x8xf32> -> vector<512x8xf32>
    %add3A_207 = arith.addf %get3A_204, %dot_general3A_206 : vector<512x8xf32>
    %swap3A_208 = arith.constant 0 : index
    %swap3A_209 = arith.constant 0 : index
    %swap3A_210 = vector.load %arg6[%swap3A_208, %swap3A_209] : memref<512x8xf32, #tpu.memory_space<vmem>>, vector<512x8xf32>
    tpu.vector_store %arg6[%swap3A_208, %swap3A_209], %add3A_207 {strides = array<i32>} : memref<512x8xf32, #tpu.memory_space<vmem>>, vector<512x8xf32>,
    %get3A_211 = arith.constant 3072 : index
    %get3A_212 = arith.constant 0 : index
    %get3A_213 = vector.load %arg1[%get3A_211, %get3A_212] : memref<8192x256xf32, #tpu.memory_space<vmem>>, vector<1024x256xf32>
    %get3A_214 = arith.constant 3072 : index
    %get3A_215 = arith.constant 0 : index
    %get3A_216 = vector.load %arg7[%get3A_214, %get3A_215] : memref<8192x8xf32, #tpu.memory_space<vmem>>, vector<1024x1xf32>
    %dot_general3A_217 = arith.constant dense<0.000000e+00> : vector<1024x512xf32>
    %dot_general3A_218 = tpu.matmul %get3A_213, %get3A_11, %dot_general3A_217 {dimension_numbers = #tpu.dot_dimension_numbers<[1], [1], [0], [0], [0, 0, 1, 0], [], []>, transpose_lhs_hint = false} : vector<1024x256xf32>, vector<512x256xf32>, vector<1024x512xf32> -> vector<1024x512xf32>
    %add3A_219 = vector.broadcast %get3A_216 : vector<1024x1xf32> to vector<1024x512xf32>
    %add3A_220 = vector.broadcast %broadcast_in_dim3A_13 : vector<1x512xf32> to vector<1024x512xf32>
    %add3A_221 = arith.addf %add3A_219, %add3A_220 : vector<1024x512xf32>
    %mul3A_222 = arith.constant 2.000000e+00 : f32
    %mul3A_223 = vector.broadcast %mul3A_222 : f32 to vector<1024x512xf32>
    %mul3A_224 = arith.mulf %mul3A_223, %dot_general3A_218 : vector<1024x512xf32>
    %sub3A_225 = arith.subf %add3A_221, %mul3A_224 : vector<1024x512xf32>
    %reduce_min3A_226 = arith.constant dense<0x7F800000> : vector<1024xf32>
    %reduce_min3A_227 = vector.multi_reduction <minimumf>, %sub3A_225, %reduce_min3A_226 [1] : vector<1024x512xf32> to vector<1024xf32>
    %broadcast_in_dim3A_228 = vector.shape_cast %reduce_min3A_227 : vector<1024xf32> to vector<1024x1xf32>
    %le3A_229 = vector.broadcast %broadcast_in_dim3A_228 : vector<1024x1xf32> to vector<1024x512xf32>
    %le3A_230 = arith.cmpf ole, %sub3A_225, %le3A_229 : vector<1024x512xf32>
    %jit3A_231 = arith.constant 4.096000e+03 : f32
    %broadcast_in_dim3A_232 = vector.broadcast %jit3A_231 : f32 to vector<1024x512xf32>
    %select_n3A_233 = arith.select %le3A_230, %convert_element_type3A_14, %broadcast_in_dim3A_232 : vector<1024x512xi1>, vector<1024x512xf32>
    %reduce_min3A_234 = arith.constant dense<0x7F800000> : vector<1024xf32>
    %reduce_min3A_235 = vector.multi_reduction <minimumf>, %select_n3A_233, %reduce_min3A_234 [1] : vector<1024x512xf32> to vector<1024xf32>
    %broadcast_in_dim3A_236 = vector.shape_cast %reduce_min3A_235 : vector<1024xf32> to vector<1024x1xf32>
    %eq3A_237 = vector.broadcast %broadcast_in_dim3A_236 : vector<1024x1xf32> to vector<1024x512xf32>
    %eq3A_238 = arith.cmpf oeq, %convert_element_type3A_14, %eq3A_237 : vector<1024x512xf32>
    %jit3A_239 = arith.constant 1.000000e+00 : f32
    %jit3A_240 = arith.constant 0.000000e+00 : f32
    %broadcast_in_dim3A_241 = vector.broadcast %jit3A_239 : f32 to vector<1024x512xf32>
    %broadcast_in_dim3A_242 = vector.broadcast %jit3A_240 : f32 to vector<1024x512xf32>
    %select_n3A_243 = arith.select %eq3A_238, %broadcast_in_dim3A_241, %broadcast_in_dim3A_242 : vector<1024x512xi1>, vector<1024x512xf32>
    %convert_element_type3A_244 = arith.truncf %select_n3A_243 : vector<1024x512xf32> to vector<1024x512xbf16>
    %get3A_245 = arith.constant 0 : index
    %get3A_246 = arith.constant 0 : index
    %get3A_247 = vector.load %arg5[%get3A_245, %get3A_246] : memref<512x256xf32, #tpu.memory_space<vmem>>, vector<512x256xf32>
    %get3A_248 = arith.constant 3072 : index
    %get3A_249 = arith.constant 0 : index
    %get3A_250 = vector.load %arg8[%get3A_248, %get3A_249] : memref<8192x256xbf16, #tpu.memory_space<vmem>>, vector<1024x256xbf16>
    %dot_general3A_251 = arith.constant dense<0.000000e+00> : vector<512x256xf32>
    %dot_general3A_252 = tpu.matmul %convert_element_type3A_244, %get3A_250, %dot_general3A_251 {dimension_numbers = #tpu.dot_dimension_numbers<[0], [0], [1], [1], [0, 1, 1, 1], [], []>, transpose_lhs_hint = false} : vector<1024x512xbf16>, vector<1024x256xbf16>, vector<512x256xf32> -> vector<512x256xf32>
    %get3A_253 = arith.constant 3072 : index
    %get3A_254 = arith.constant 0 : index
    %get3A_255 = vector.load %arg9[%get3A_253, %get3A_254] : memref<8192x256xbf16, #tpu.memory_space<vmem>>, vector<1024x256xbf16>
    %dot_general3A_256 = arith.constant dense<0.000000e+00> : vector<512x256xf32>
    %dot_general3A_257 = tpu.matmul %convert_element_type3A_244, %get3A_255, %dot_general3A_256 {dimension_numbers = #tpu.dot_dimension_numbers<[0], [0], [1], [1], [0, 1, 1, 1], [], []>, transpose_lhs_hint = false} : vector<1024x512xbf16>, vector<1024x256xbf16>, vector<512x256xf32> -> vector<512x256xf32>
    %add3A_258 = arith.addf %dot_general3A_252, %dot_general3A_257 : vector<512x256xf32>
    %get3A_259 = arith.constant 3072 : index
    %get3A_260 = arith.constant 0 : index
    %get3A_261 = vector.load %arg10[%get3A_259, %get3A_260] : memref<8192x256xbf16, #tpu.memory_space<vmem>>, vector<1024x256xbf16>
    %dot_general3A_262 = arith.constant dense<0.000000e+00> : vector<512x256xf32>
    %dot_general3A_263 = tpu.matmul %convert_element_type3A_244, %get3A_261, %dot_general3A_262 {dimension_numbers = #tpu.dot_dimension_numbers<[0], [0], [1], [1], [0, 1, 1, 1], [], []>, transpose_lhs_hint = false} : vector<1024x512xbf16>, vector<1024x256xbf16>, vector<512x256xf32> -> vector<512x256xf32>
    %add3A_264 = arith.addf %add3A_258, %dot_general3A_263 : vector<512x256xf32>
    %add3A_265 = arith.addf %get3A_247, %add3A_264 : vector<512x256xf32>
    %swap3A_266 = arith.constant 0 : index
    %swap3A_267 = arith.constant 0 : index
    %swap3A_268 = vector.load %arg5[%swap3A_266, %swap3A_267] : memref<512x256xf32, #tpu.memory_space<vmem>>, vector<512x256xf32>
    tpu.vector_store %arg5[%swap3A_266, %swap3A_267], %add3A_265 {strides = array<i32>} : memref<512x256xf32, #tpu.memory_space<vmem>>, vector<512x256xf32>,
    %get3A_269 = arith.constant 0 : index
    %get3A_270 = arith.constant 0 : index
    %get3A_271 = vector.load %arg6[%get3A_269, %get3A_270] : memref<512x8xf32, #tpu.memory_space<vmem>>, vector<512x8xf32>
    %dot_general3A_272 = arith.constant dense<0.000000e+00> : vector<512x8xf32>
    %dot_general3A_273 = tpu.matmul %convert_element_type3A_244, %broadcast_in_dim3A_16, %dot_general3A_272 {dimension_numbers = #tpu.dot_dimension_numbers<[0], [0], [1], [1], [0, 1, 1, 1], [], []>, transpose_lhs_hint = false} : vector<1024x512xbf16>, vector<1024x8xbf16>, vector<512x8xf32> -> vector<512x8xf32>
    %add3A_274 = arith.addf %get3A_271, %dot_general3A_273 : vector<512x8xf32>
    %swap3A_275 = arith.constant 0 : index
    %swap3A_276 = arith.constant 0 : index
    %swap3A_277 = vector.load %arg6[%swap3A_275, %swap3A_276] : memref<512x8xf32, #tpu.memory_space<vmem>>, vector<512x8xf32>
    tpu.vector_store %arg6[%swap3A_275, %swap3A_276], %add3A_274 {strides = array<i32>} : memref<512x8xf32, #tpu.memory_space<vmem>>, vector<512x8xf32>,
    %get3A_278 = arith.constant 4096 : index
    %get3A_279 = arith.constant 0 : index
    %get3A_280 = vector.load %arg1[%get3A_278, %get3A_279] : memref<8192x256xf32, #tpu.memory_space<vmem>>, vector<1024x256xf32>
    %get3A_281 = arith.constant 4096 : index
    %get3A_282 = arith.constant 0 : index
    %get3A_283 = vector.load %arg7[%get3A_281, %get3A_282] : memref<8192x8xf32, #tpu.memory_space<vmem>>, vector<1024x1xf32>
    %dot_general3A_284 = arith.constant dense<0.000000e+00> : vector<1024x512xf32>
    %dot_general3A_285 = tpu.matmul %get3A_280, %get3A_11, %dot_general3A_284 {dimension_numbers = #tpu.dot_dimension_numbers<[1], [1], [0], [0], [0, 0, 1, 0], [], []>, transpose_lhs_hint = false} : vector<1024x256xf32>, vector<512x256xf32>, vector<1024x512xf32> -> vector<1024x512xf32>
    %add3A_286 = vector.broadcast %get3A_283 : vector<1024x1xf32> to vector<1024x512xf32>
    %add3A_287 = vector.broadcast %broadcast_in_dim3A_13 : vector<1x512xf32> to vector<1024x512xf32>
    %add3A_288 = arith.addf %add3A_286, %add3A_287 : vector<1024x512xf32>
    %mul3A_289 = arith.constant 2.000000e+00 : f32
    %mul3A_290 = vector.broadcast %mul3A_289 : f32 to vector<1024x512xf32>
    %mul3A_291 = arith.mulf %mul3A_290, %dot_general3A_285 : vector<1024x512xf32>
    %sub3A_292 = arith.subf %add3A_288, %mul3A_291 : vector<1024x512xf32>
    %reduce_min3A_293 = arith.constant dense<0x7F800000> : vector<1024xf32>
    %reduce_min3A_294 = vector.multi_reduction <minimumf>, %sub3A_292, %reduce_min3A_293 [1] : vector<1024x512xf32> to vector<1024xf32>
    %broadcast_in_dim3A_295 = vector.shape_cast %reduce_min3A_294 : vector<1024xf32> to vector<1024x1xf32>
    %le3A_296 = vector.broadcast %broadcast_in_dim3A_295 : vector<1024x1xf32> to vector<1024x512xf32>
    %le3A_297 = arith.cmpf ole, %sub3A_292, %le3A_296 : vector<1024x512xf32>
    %jit3A_298 = arith.constant 4.096000e+03 : f32
    %broadcast_in_dim3A_299 = vector.broadcast %jit3A_298 : f32 to vector<1024x512xf32>
    %select_n3A_300 = arith.select %le3A_297, %convert_element_type3A_14, %broadcast_in_dim3A_299 : vector<1024x512xi1>, vector<1024x512xf32>
    %reduce_min3A_301 = arith.constant dense<0x7F800000> : vector<1024xf32>
    %reduce_min3A_302 = vector.multi_reduction <minimumf>, %select_n3A_300, %reduce_min3A_301 [1] : vector<1024x512xf32> to vector<1024xf32>
    %broadcast_in_dim3A_303 = vector.shape_cast %reduce_min3A_302 : vector<1024xf32> to vector<1024x1xf32>
    %eq3A_304 = vector.broadcast %broadcast_in_dim3A_303 : vector<1024x1xf32> to vector<1024x512xf32>
    %eq3A_305 = arith.cmpf oeq, %convert_element_type3A_14, %eq3A_304 : vector<1024x512xf32>
    %jit3A_306 = arith.constant 1.000000e+00 : f32
    %jit3A_307 = arith.constant 0.000000e+00 : f32
    %broadcast_in_dim3A_308 = vector.broadcast %jit3A_306 : f32 to vector<1024x512xf32>
    %broadcast_in_dim3A_309 = vector.broadcast %jit3A_307 : f32 to vector<1024x512xf32>
    %select_n3A_310 = arith.select %eq3A_305, %broadcast_in_dim3A_308, %broadcast_in_dim3A_309 : vector<1024x512xi1>, vector<1024x512xf32>
    %convert_element_type3A_311 = arith.truncf %select_n3A_310 : vector<1024x512xf32> to vector<1024x512xbf16>
    %get3A_312 = arith.constant 0 : index
    %get3A_313 = arith.constant 0 : index
    %get3A_314 = vector.load %arg5[%get3A_312, %get3A_313] : memref<512x256xf32, #tpu.memory_space<vmem>>, vector<512x256xf32>
    %get3A_315 = arith.constant 4096 : index
    %get3A_316 = arith.constant 0 : index
    %get3A_317 = vector.load %arg8[%get3A_315, %get3A_316] : memref<8192x256xbf16, #tpu.memory_space<vmem>>, vector<1024x256xbf16>
    %dot_general3A_318 = arith.constant dense<0.000000e+00> : vector<512x256xf32>
    %dot_general3A_319 = tpu.matmul %convert_element_type3A_311, %get3A_317, %dot_general3A_318 {dimension_numbers = #tpu.dot_dimension_numbers<[0], [0], [1], [1], [0, 1, 1, 1], [], []>, transpose_lhs_hint = false} : vector<1024x512xbf16>, vector<1024x256xbf16>, vector<512x256xf32> -> vector<512x256xf32>
    %get3A_320 = arith.constant 4096 : index
    %get3A_321 = arith.constant 0 : index
    %get3A_322 = vector.load %arg9[%get3A_320, %get3A_321] : memref<8192x256xbf16, #tpu.memory_space<vmem>>, vector<1024x256xbf16>
    %dot_general3A_323 = arith.constant dense<0.000000e+00> : vector<512x256xf32>
    %dot_general3A_324 = tpu.matmul %convert_element_type3A_311, %get3A_322, %dot_general3A_323 {dimension_numbers = #tpu.dot_dimension_numbers<[0], [0], [1], [1], [0, 1, 1, 1], [], []>, transpose_lhs_hint = false} : vector<1024x512xbf16>, vector<1024x256xbf16>, vector<512x256xf32> -> vector<512x256xf32>
    %add3A_325 = arith.addf %dot_general3A_319, %dot_general3A_324 : vector<512x256xf32>
    %get3A_326 = arith.constant 4096 : index
    %get3A_327 = arith.constant 0 : index
    %get3A_328 = vector.load %arg10[%get3A_326, %get3A_327] : memref<8192x256xbf16, #tpu.memory_space<vmem>>, vector<1024x256xbf16>
    %dot_general3A_329 = arith.constant dense<0.000000e+00> : vector<512x256xf32>
    %dot_general3A_330 = tpu.matmul %convert_element_type3A_311, %get3A_328, %dot_general3A_329 {dimension_numbers = #tpu.dot_dimension_numbers<[0], [0], [1], [1], [0, 1, 1, 1], [], []>, transpose_lhs_hint = false} : vector<1024x512xbf16>, vector<1024x256xbf16>, vector<512x256xf32> -> vector<512x256xf32>
    %add3A_331 = arith.addf %add3A_325, %dot_general3A_330 : vector<512x256xf32>
    %add3A_332 = arith.addf %get3A_314, %add3A_331 : vector<512x256xf32>
    %swap3A_333 = arith.constant 0 : index
    %swap3A_334 = arith.constant 0 : index
    %swap3A_335 = vector.load %arg5[%swap3A_333, %swap3A_334] : memref<512x256xf32, #tpu.memory_space<vmem>>, vector<512x256xf32>
    tpu.vector_store %arg5[%swap3A_333, %swap3A_334], %add3A_332 {strides = array<i32>} : memref<512x256xf32, #tpu.memory_space<vmem>>, vector<512x256xf32>,
    %get3A_336 = arith.constant 0 : index
    %get3A_337 = arith.constant 0 : index
    %get3A_338 = vector.load %arg6[%get3A_336, %get3A_337] : memref<512x8xf32, #tpu.memory_space<vmem>>, vector<512x8xf32>
    %dot_general3A_339 = arith.constant dense<0.000000e+00> : vector<512x8xf32>
    %dot_general3A_340 = tpu.matmul %convert_element_type3A_311, %broadcast_in_dim3A_16, %dot_general3A_339 {dimension_numbers = #tpu.dot_dimension_numbers<[0], [0], [1], [1], [0, 1, 1, 1], [], []>, transpose_lhs_hint = false} : vector<1024x512xbf16>, vector<1024x8xbf16>, vector<512x8xf32> -> vector<512x8xf32>
    %add3A_341 = arith.addf %get3A_338, %dot_general3A_340 : vector<512x8xf32>
    %swap3A_342 = arith.constant 0 : index
    %swap3A_343 = arith.constant 0 : index
    %swap3A_344 = vector.load %arg6[%swap3A_342, %swap3A_343] : memref<512x8xf32, #tpu.memory_space<vmem>>, vector<512x8xf32>
    tpu.vector_store %arg6[%swap3A_342, %swap3A_343], %add3A_341 {strides = array<i32>} : memref<512x8xf32, #tpu.memory_space<vmem>>, vector<512x8xf32>,
    %get3A_345 = arith.constant 5120 : index
    %get3A_346 = arith.constant 0 : index
    %get3A_347 = vector.load %arg1[%get3A_345, %get3A_346] : memref<8192x256xf32, #tpu.memory_space<vmem>>, vector<1024x256xf32>
    %get3A_348 = arith.constant 5120 : index
    %get3A_349 = arith.constant 0 : index
    %get3A_350 = vector.load %arg7[%get3A_348, %get3A_349] : memref<8192x8xf32, #tpu.memory_space<vmem>>, vector<1024x1xf32>
    %dot_general3A_351 = arith.constant dense<0.000000e+00> : vector<1024x512xf32>
    %dot_general3A_352 = tpu.matmul %get3A_347, %get3A_11, %dot_general3A_351 {dimension_numbers = #tpu.dot_dimension_numbers<[1], [1], [0], [0], [0, 0, 1, 0], [], []>, transpose_lhs_hint = false} : vector<1024x256xf32>, vector<512x256xf32>, vector<1024x512xf32> -> vector<1024x512xf32>
    %add3A_353 = vector.broadcast %get3A_350 : vector<1024x1xf32> to vector<1024x512xf32>
    %add3A_354 = vector.broadcast %broadcast_in_dim3A_13 : vector<1x512xf32> to vector<1024x512xf32>
    %add3A_355 = arith.addf %add3A_353, %add3A_354 : vector<1024x512xf32>
    %mul3A_356 = arith.constant 2.000000e+00 : f32
    %mul3A_357 = vector.broadcast %mul3A_356 : f32 to vector<1024x512xf32>
    %mul3A_358 = arith.mulf %mul3A_357, %dot_general3A_352 : vector<1024x512xf32>
    %sub3A_359 = arith.subf %add3A_355, %mul3A_358 : vector<1024x512xf32>
    %reduce_min3A_360 = arith.constant dense<0x7F800000> : vector<1024xf32>
    %reduce_min3A_361 = vector.multi_reduction <minimumf>, %sub3A_359, %reduce_min3A_360 [1] : vector<1024x512xf32> to vector<1024xf32>
    %broadcast_in_dim3A_362 = vector.shape_cast %reduce_min3A_361 : vector<1024xf32> to vector<1024x1xf32>
    %le3A_363 = vector.broadcast %broadcast_in_dim3A_362 : vector<1024x1xf32> to vector<1024x512xf32>
    %le3A_364 = arith.cmpf ole, %sub3A_359, %le3A_363 : vector<1024x512xf32>
    %jit3A_365 = arith.constant 4.096000e+03 : f32
    %broadcast_in_dim3A_366 = vector.broadcast %jit3A_365 : f32 to vector<1024x512xf32>
    %select_n3A_367 = arith.select %le3A_364, %convert_element_type3A_14, %broadcast_in_dim3A_366 : vector<1024x512xi1>, vector<1024x512xf32>
    %reduce_min3A_368 = arith.constant dense<0x7F800000> : vector<1024xf32>
    %reduce_min3A_369 = vector.multi_reduction <minimumf>, %select_n3A_367, %reduce_min3A_368 [1] : vector<1024x512xf32> to vector<1024xf32>
    %broadcast_in_dim3A_370 = vector.shape_cast %reduce_min3A_369 : vector<1024xf32> to vector<1024x1xf32>
    %eq3A_371 = vector.broadcast %broadcast_in_dim3A_370 : vector<1024x1xf32> to vector<1024x512xf32>
    %eq3A_372 = arith.cmpf oeq, %convert_element_type3A_14, %eq3A_371 : vector<1024x512xf32>
    %jit3A_373 = arith.constant 1.000000e+00 : f32
    %jit3A_374 = arith.constant 0.000000e+00 : f32
    %broadcast_in_dim3A_375 = vector.broadcast %jit3A_373 : f32 to vector<1024x512xf32>
    %broadcast_in_dim3A_376 = vector.broadcast %jit3A_374 : f32 to vector<1024x512xf32>
    %select_n3A_377 = arith.select %eq3A_372, %broadcast_in_dim3A_375, %broadcast_in_dim3A_376 : vector<1024x512xi1>, vector<1024x512xf32>
    %convert_element_type3A_378 = arith.truncf %select_n3A_377 : vector<1024x512xf32> to vector<1024x512xbf16>
    %get3A_379 = arith.constant 0 : index
    %get3A_380 = arith.constant 0 : index
    %get3A_381 = vector.load %arg5[%get3A_379, %get3A_380] : memref<512x256xf32, #tpu.memory_space<vmem>>, vector<512x256xf32>
    %get3A_382 = arith.constant 5120 : index
    %get3A_383 = arith.constant 0 : index
    %get3A_384 = vector.load %arg8[%get3A_382, %get3A_383] : memref<8192x256xbf16, #tpu.memory_space<vmem>>, vector<1024x256xbf16>
    %dot_general3A_385 = arith.constant dense<0.000000e+00> : vector<512x256xf32>
    %dot_general3A_386 = tpu.matmul %convert_element_type3A_378, %get3A_384, %dot_general3A_385 {dimension_numbers = #tpu.dot_dimension_numbers<[0], [0], [1], [1], [0, 1, 1, 1], [], []>, transpose_lhs_hint = false} : vector<1024x512xbf16>, vector<1024x256xbf16>, vector<512x256xf32> -> vector<512x256xf32>
    %get3A_387 = arith.constant 5120 : index
    %get3A_388 = arith.constant 0 : index
    %get3A_389 = vector.load %arg9[%get3A_387, %get3A_388] : memref<8192x256xbf16, #tpu.memory_space<vmem>>, vector<1024x256xbf16>
    %dot_general3A_390 = arith.constant dense<0.000000e+00> : vector<512x256xf32>
    %dot_general3A_391 = tpu.matmul %convert_element_type3A_378, %get3A_389, %dot_general3A_390 {dimension_numbers = #tpu.dot_dimension_numbers<[0], [0], [1], [1], [0, 1, 1, 1], [], []>, transpose_lhs_hint = false} : vector<1024x512xbf16>, vector<1024x256xbf16>, vector<512x256xf32> -> vector<512x256xf32>
    %add3A_392 = arith.addf %dot_general3A_386, %dot_general3A_391 : vector<512x256xf32>
    %get3A_393 = arith.constant 5120 : index
    %get3A_394 = arith.constant 0 : index
    %get3A_395 = vector.load %arg10[%get3A_393, %get3A_394] : memref<8192x256xbf16, #tpu.memory_space<vmem>>, vector<1024x256xbf16>
    %dot_general3A_396 = arith.constant dense<0.000000e+00> : vector<512x256xf32>
    %dot_general3A_397 = tpu.matmul %convert_element_type3A_378, %get3A_395, %dot_general3A_396 {dimension_numbers = #tpu.dot_dimension_numbers<[0], [0], [1], [1], [0, 1, 1, 1], [], []>, transpose_lhs_hint = false} : vector<1024x512xbf16>, vector<1024x256xbf16>, vector<512x256xf32> -> vector<512x256xf32>
    %add3A_398 = arith.addf %add3A_392, %dot_general3A_397 : vector<512x256xf32>
    %add3A_399 = arith.addf %get3A_381, %add3A_398 : vector<512x256xf32>
    %swap3A_400 = arith.constant 0 : index
    %swap3A_401 = arith.constant 0 : index
    %swap3A_402 = vector.load %arg5[%swap3A_400, %swap3A_401] : memref<512x256xf32, #tpu.memory_space<vmem>>, vector<512x256xf32>
    tpu.vector_store %arg5[%swap3A_400, %swap3A_401], %add3A_399 {strides = array<i32>} : memref<512x256xf32, #tpu.memory_space<vmem>>, vector<512x256xf32>,
    %get3A_403 = arith.constant 0 : index
    %get3A_404 = arith.constant 0 : index
    %get3A_405 = vector.load %arg6[%get3A_403, %get3A_404] : memref<512x8xf32, #tpu.memory_space<vmem>>, vector<512x8xf32>
    %dot_general3A_406 = arith.constant dense<0.000000e+00> : vector<512x8xf32>
    %dot_general3A_407 = tpu.matmul %convert_element_type3A_378, %broadcast_in_dim3A_16, %dot_general3A_406 {dimension_numbers = #tpu.dot_dimension_numbers<[0], [0], [1], [1], [0, 1, 1, 1], [], []>, transpose_lhs_hint = false} : vector<1024x512xbf16>, vector<1024x8xbf16>, vector<512x8xf32> -> vector<512x8xf32>
    %add3A_408 = arith.addf %get3A_405, %dot_general3A_407 : vector<512x8xf32>
    %swap3A_409 = arith.constant 0 : index
    %swap3A_410 = arith.constant 0 : index
    %swap3A_411 = vector.load %arg6[%swap3A_409, %swap3A_410] : memref<512x8xf32, #tpu.memory_space<vmem>>, vector<512x8xf32>
    tpu.vector_store %arg6[%swap3A_409, %swap3A_410], %add3A_408 {strides = array<i32>} : memref<512x8xf32, #tpu.memory_space<vmem>>, vector<512x8xf32>,
    %get3A_412 = arith.constant 6144 : index
    %get3A_413 = arith.constant 0 : index
    %get3A_414 = vector.load %arg1[%get3A_412, %get3A_413] : memref<8192x256xf32, #tpu.memory_space<vmem>>, vector<1024x256xf32>
    %get3A_415 = arith.constant 6144 : index
    %get3A_416 = arith.constant 0 : index
    %get3A_417 = vector.load %arg7[%get3A_415, %get3A_416] : memref<8192x8xf32, #tpu.memory_space<vmem>>, vector<1024x1xf32>
    %dot_general3A_418 = arith.constant dense<0.000000e+00> : vector<1024x512xf32>
    %dot_general3A_419 = tpu.matmul %get3A_414, %get3A_11, %dot_general3A_418 {dimension_numbers = #tpu.dot_dimension_numbers<[1], [1], [0], [0], [0, 0, 1, 0], [], []>, transpose_lhs_hint = false} : vector<1024x256xf32>, vector<512x256xf32>, vector<1024x512xf32> -> vector<1024x512xf32>
    %add3A_420 = vector.broadcast %get3A_417 : vector<1024x1xf32> to vector<1024x512xf32>
    %add3A_421 = vector.broadcast %broadcast_in_dim3A_13 : vector<1x512xf32> to vector<1024x512xf32>
    %add3A_422 = arith.addf %add3A_420, %add3A_421 : vector<1024x512xf32>
    %mul3A_423 = arith.constant 2.000000e+00 : f32
    %mul3A_424 = vector.broadcast %mul3A_423 : f32 to vector<1024x512xf32>
    %mul3A_425 = arith.mulf %mul3A_424, %dot_general3A_419 : vector<1024x512xf32>
    %sub3A_426 = arith.subf %add3A_422, %mul3A_425 : vector<1024x512xf32>
    %reduce_min3A_427 = arith.constant dense<0x7F800000> : vector<1024xf32>
    %reduce_min3A_428 = vector.multi_reduction <minimumf>, %sub3A_426, %reduce_min3A_427 [1] : vector<1024x512xf32> to vector<1024xf32>
    %broadcast_in_dim3A_429 = vector.shape_cast %reduce_min3A_428 : vector<1024xf32> to vector<1024x1xf32>
    %le3A_430 = vector.broadcast %broadcast_in_dim3A_429 : vector<1024x1xf32> to vector<1024x512xf32>
    %le3A_431 = arith.cmpf ole, %sub3A_426, %le3A_430 : vector<1024x512xf32>
    %jit3A_432 = arith.constant 4.096000e+03 : f32
    %broadcast_in_dim3A_433 = vector.broadcast %jit3A_432 : f32 to vector<1024x512xf32>
    %select_n3A_434 = arith.select %le3A_431, %convert_element_type3A_14, %broadcast_in_dim3A_433 : vector<1024x512xi1>, vector<1024x512xf32>
    %reduce_min3A_435 = arith.constant dense<0x7F800000> : vector<1024xf32>
    %reduce_min3A_436 = vector.multi_reduction <minimumf>, %select_n3A_434, %reduce_min3A_435 [1] : vector<1024x512xf32> to vector<1024xf32>
    %broadcast_in_dim3A_437 = vector.shape_cast %reduce_min3A_436 : vector<1024xf32> to vector<1024x1xf32>
    %eq3A_438 = vector.broadcast %broadcast_in_dim3A_437 : vector<1024x1xf32> to vector<1024x512xf32>
    %eq3A_439 = arith.cmpf oeq, %convert_element_type3A_14, %eq3A_438 : vector<1024x512xf32>
    %jit3A_440 = arith.constant 1.000000e+00 : f32
    %jit3A_441 = arith.constant 0.000000e+00 : f32
    %broadcast_in_dim3A_442 = vector.broadcast %jit3A_440 : f32 to vector<1024x512xf32>
    %broadcast_in_dim3A_443 = vector.broadcast %jit3A_441 : f32 to vector<1024x512xf32>
    %select_n3A_444 = arith.select %eq3A_439, %broadcast_in_dim3A_442, %broadcast_in_dim3A_443 : vector<1024x512xi1>, vector<1024x512xf32>
    %convert_element_type3A_445 = arith.truncf %select_n3A_444 : vector<1024x512xf32> to vector<1024x512xbf16>
    %get3A_446 = arith.constant 0 : index
    %get3A_447 = arith.constant 0 : index
    %get3A_448 = vector.load %arg5[%get3A_446, %get3A_447] : memref<512x256xf32, #tpu.memory_space<vmem>>, vector<512x256xf32>
    %get3A_449 = arith.constant 6144 : index
    %get3A_450 = arith.constant 0 : index
    %get3A_451 = vector.load %arg8[%get3A_449, %get3A_450] : memref<8192x256xbf16, #tpu.memory_space<vmem>>, vector<1024x256xbf16>
    %dot_general3A_452 = arith.constant dense<0.000000e+00> : vector<512x256xf32>
    %dot_general3A_453 = tpu.matmul %convert_element_type3A_445, %get3A_451, %dot_general3A_452 {dimension_numbers = #tpu.dot_dimension_numbers<[0], [0], [1], [1], [0, 1, 1, 1], [], []>, transpose_lhs_hint = false} : vector<1024x512xbf16>, vector<1024x256xbf16>, vector<512x256xf32> -> vector<512x256xf32>
    %get3A_454 = arith.constant 6144 : index
    %get3A_455 = arith.constant 0 : index
    %get3A_456 = vector.load %arg9[%get3A_454, %get3A_455] : memref<8192x256xbf16, #tpu.memory_space<vmem>>, vector<1024x256xbf16>
    %dot_general3A_457 = arith.constant dense<0.000000e+00> : vector<512x256xf32>
    %dot_general3A_458 = tpu.matmul %convert_element_type3A_445, %get3A_456, %dot_general3A_457 {dimension_numbers = #tpu.dot_dimension_numbers<[0], [0], [1], [1], [0, 1, 1, 1], [], []>, transpose_lhs_hint = false} : vector<1024x512xbf16>, vector<1024x256xbf16>, vector<512x256xf32> -> vector<512x256xf32>
    %add3A_459 = arith.addf %dot_general3A_453, %dot_general3A_458 : vector<512x256xf32>
    %get3A_460 = arith.constant 6144 : index
    %get3A_461 = arith.constant 0 : index
    %get3A_462 = vector.load %arg10[%get3A_460, %get3A_461] : memref<8192x256xbf16, #tpu.memory_space<vmem>>, vector<1024x256xbf16>
    %dot_general3A_463 = arith.constant dense<0.000000e+00> : vector<512x256xf32>
    %dot_general3A_464 = tpu.matmul %convert_element_type3A_445, %get3A_462, %dot_general3A_463 {dimension_numbers = #tpu.dot_dimension_numbers<[0], [0], [1], [1], [0, 1, 1, 1], [], []>, transpose_lhs_hint = false} : vector<1024x512xbf16>, vector<1024x256xbf16>, vector<512x256xf32> -> vector<512x256xf32>
    %add3A_465 = arith.addf %add3A_459, %dot_general3A_464 : vector<512x256xf32>
    %add3A_466 = arith.addf %get3A_448, %add3A_465 : vector<512x256xf32>
    %swap3A_467 = arith.constant 0 : index
    %swap3A_468 = arith.constant 0 : index
    %swap3A_469 = vector.load %arg5[%swap3A_467, %swap3A_468] : memref<512x256xf32, #tpu.memory_space<vmem>>, vector<512x256xf32>
    tpu.vector_store %arg5[%swap3A_467, %swap3A_468], %add3A_466 {strides = array<i32>} : memref<512x256xf32, #tpu.memory_space<vmem>>, vector<512x256xf32>,
    %get3A_470 = arith.constant 0 : index
    %get3A_471 = arith.constant 0 : index
    %get3A_472 = vector.load %arg6[%get3A_470, %get3A_471] : memref<512x8xf32, #tpu.memory_space<vmem>>, vector<512x8xf32>
    %dot_general3A_473 = arith.constant dense<0.000000e+00> : vector<512x8xf32>
    %dot_general3A_474 = tpu.matmul %convert_element_type3A_445, %broadcast_in_dim3A_16, %dot_general3A_473 {dimension_numbers = #tpu.dot_dimension_numbers<[0], [0], [1], [1], [0, 1, 1, 1], [], []>, transpose_lhs_hint = false} : vector<1024x512xbf16>, vector<1024x8xbf16>, vector<512x8xf32> -> vector<512x8xf32>
    %add3A_475 = arith.addf %get3A_472, %dot_general3A_474 : vector<512x8xf32>
    %swap3A_476 = arith.constant 0 : index
    %swap3A_477 = arith.constant 0 : index
    %swap3A_478 = vector.load %arg6[%swap3A_476, %swap3A_477] : memref<512x8xf32, #tpu.memory_space<vmem>>, vector<512x8xf32>
    tpu.vector_store %arg6[%swap3A_476, %swap3A_477], %add3A_475 {strides = array<i32>} : memref<512x8xf32, #tpu.memory_space<vmem>>, vector<512x8xf32>,
    %get3A_479 = arith.constant 7168 : index
    %get3A_480 = arith.constant 0 : index
    %get3A_481 = vector.load %arg1[%get3A_479, %get3A_480] : memref<8192x256xf32, #tpu.memory_space<vmem>>, vector<1024x256xf32>
    %get3A_482 = arith.constant 7168 : index
    %get3A_483 = arith.constant 0 : index
    %get3A_484 = vector.load %arg7[%get3A_482, %get3A_483] : memref<8192x8xf32, #tpu.memory_space<vmem>>, vector<1024x1xf32>
    %dot_general3A_485 = arith.constant dense<0.000000e+00> : vector<1024x512xf32>
    %dot_general3A_486 = tpu.matmul %get3A_481, %get3A_11, %dot_general3A_485 {dimension_numbers = #tpu.dot_dimension_numbers<[1], [1], [0], [0], [0, 0, 1, 0], [], []>, transpose_lhs_hint = false} : vector<1024x256xf32>, vector<512x256xf32>, vector<1024x512xf32> -> vector<1024x512xf32>
    %add3A_487 = vector.broadcast %get3A_484 : vector<1024x1xf32> to vector<1024x512xf32>
    %add3A_488 = vector.broadcast %broadcast_in_dim3A_13 : vector<1x512xf32> to vector<1024x512xf32>
    %add3A_489 = arith.addf %add3A_487, %add3A_488 : vector<1024x512xf32>
    %mul3A_490 = arith.constant 2.000000e+00 : f32
    %mul3A_491 = vector.broadcast %mul3A_490 : f32 to vector<1024x512xf32>
    %mul3A_492 = arith.mulf %mul3A_491, %dot_general3A_486 : vector<1024x512xf32>
    %sub3A_493 = arith.subf %add3A_489, %mul3A_492 : vector<1024x512xf32>
    %reduce_min3A_494 = arith.constant dense<0x7F800000> : vector<1024xf32>
    %reduce_min3A_495 = vector.multi_reduction <minimumf>, %sub3A_493, %reduce_min3A_494 [1] : vector<1024x512xf32> to vector<1024xf32>
    %broadcast_in_dim3A_496 = vector.shape_cast %reduce_min3A_495 : vector<1024xf32> to vector<1024x1xf32>
    %le3A_497 = vector.broadcast %broadcast_in_dim3A_496 : vector<1024x1xf32> to vector<1024x512xf32>
    %le3A_498 = arith.cmpf ole, %sub3A_493, %le3A_497 : vector<1024x512xf32>
    %jit3A_499 = arith.constant 4.096000e+03 : f32
    %broadcast_in_dim3A_500 = vector.broadcast %jit3A_499 : f32 to vector<1024x512xf32>
    %select_n3A_501 = arith.select %le3A_498, %convert_element_type3A_14, %broadcast_in_dim3A_500 : vector<1024x512xi1>, vector<1024x512xf32>
    %reduce_min3A_502 = arith.constant dense<0x7F800000> : vector<1024xf32>
    %reduce_min3A_503 = vector.multi_reduction <minimumf>, %select_n3A_501, %reduce_min3A_502 [1] : vector<1024x512xf32> to vector<1024xf32>
    %broadcast_in_dim3A_504 = vector.shape_cast %reduce_min3A_503 : vector<1024xf32> to vector<1024x1xf32>
    %eq3A_505 = vector.broadcast %broadcast_in_dim3A_504 : vector<1024x1xf32> to vector<1024x512xf32>
    %eq3A_506 = arith.cmpf oeq, %convert_element_type3A_14, %eq3A_505 : vector<1024x512xf32>
    %jit3A_507 = arith.constant 1.000000e+00 : f32
    %jit3A_508 = arith.constant 0.000000e+00 : f32
    %broadcast_in_dim3A_509 = vector.broadcast %jit3A_507 : f32 to vector<1024x512xf32>
    %broadcast_in_dim3A_510 = vector.broadcast %jit3A_508 : f32 to vector<1024x512xf32>
    %select_n3A_511 = arith.select %eq3A_506, %broadcast_in_dim3A_509, %broadcast_in_dim3A_510 : vector<1024x512xi1>, vector<1024x512xf32>
    %convert_element_type3A_512 = arith.truncf %select_n3A_511 : vector<1024x512xf32> to vector<1024x512xbf16>
    %get3A_513 = arith.constant 0 : index
    %get3A_514 = arith.constant 0 : index
    %get3A_515 = vector.load %arg5[%get3A_513, %get3A_514] : memref<512x256xf32, #tpu.memory_space<vmem>>, vector<512x256xf32>
    %get3A_516 = arith.constant 7168 : index
    %get3A_517 = arith.constant 0 : index
    %get3A_518 = vector.load %arg8[%get3A_516, %get3A_517] : memref<8192x256xbf16, #tpu.memory_space<vmem>>, vector<1024x256xbf16>
    %dot_general3A_519 = arith.constant dense<0.000000e+00> : vector<512x256xf32>
    %dot_general3A_520 = tpu.matmul %convert_element_type3A_512, %get3A_518, %dot_general3A_519 {dimension_numbers = #tpu.dot_dimension_numbers<[0], [0], [1], [1], [0, 1, 1, 1], [], []>, transpose_lhs_hint = false} : vector<1024x512xbf16>, vector<1024x256xbf16>, vector<512x256xf32> -> vector<512x256xf32>
    %get3A_521 = arith.constant 7168 : index
    %get3A_522 = arith.constant 0 : index
    %get3A_523 = vector.load %arg9[%get3A_521, %get3A_522] : memref<8192x256xbf16, #tpu.memory_space<vmem>>, vector<1024x256xbf16>
    %dot_general3A_524 = arith.constant dense<0.000000e+00> : vector<512x256xf32>
    %dot_general3A_525 = tpu.matmul %convert_element_type3A_512, %get3A_523, %dot_general3A_524 {dimension_numbers = #tpu.dot_dimension_numbers<[0], [0], [1], [1], [0, 1, 1, 1], [], []>, transpose_lhs_hint = false} : vector<1024x512xbf16>, vector<1024x256xbf16>, vector<512x256xf32> -> vector<512x256xf32>
    %add3A_526 = arith.addf %dot_general3A_520, %dot_general3A_525 : vector<512x256xf32>
    %get3A_527 = arith.constant 7168 : index
    %get3A_528 = arith.constant 0 : index
    %get3A_529 = vector.load %arg10[%get3A_527, %get3A_528] : memref<8192x256xbf16, #tpu.memory_space<vmem>>, vector<1024x256xbf16>
    %dot_general3A_530 = arith.constant dense<0.000000e+00> : vector<512x256xf32>
    %dot_general3A_531 = tpu.matmul %convert_element_type3A_512, %get3A_529, %dot_general3A_530 {dimension_numbers = #tpu.dot_dimension_numbers<[0], [0], [1], [1], [0, 1, 1, 1], [], []>, transpose_lhs_hint = false} : vector<1024x512xbf16>, vector<1024x256xbf16>, vector<512x256xf32> -> vector<512x256xf32>
    %add3A_532 = arith.addf %add3A_526, %dot_general3A_531 : vector<512x256xf32>
    %add3A_533 = arith.addf %get3A_515, %add3A_532 : vector<512x256xf32>
    %swap3A_534 = arith.constant 0 : index
    %swap3A_535 = arith.constant 0 : index
    %swap3A_536 = vector.load %arg5[%swap3A_534, %swap3A_535] : memref<512x256xf32, #tpu.memory_space<vmem>>, vector<512x256xf32>
    tpu.vector_store %arg5[%swap3A_534, %swap3A_535], %add3A_533 {strides = array<i32>} : memref<512x256xf32, #tpu.memory_space<vmem>>, vector<512x256xf32>,
    %get3A_537 = arith.constant 0 : index
    %get3A_538 = arith.constant 0 : index
    %get3A_539 = vector.load %arg6[%get3A_537, %get3A_538] : memref<512x8xf32, #tpu.memory_space<vmem>>, vector<512x8xf32>
    %dot_general3A_540 = arith.constant dense<0.000000e+00> : vector<512x8xf32>
    %dot_general3A_541 = tpu.matmul %convert_element_type3A_512, %broadcast_in_dim3A_16, %dot_general3A_540 {dimension_numbers = #tpu.dot_dimension_numbers<[0], [0], [1], [1], [0, 1, 1, 1], [], []>, transpose_lhs_hint = false} : vector<1024x512xbf16>, vector<1024x8xbf16>, vector<512x8xf32> -> vector<512x8xf32>
    %add3A_542 = arith.addf %get3A_539, %dot_general3A_541 : vector<512x8xf32>
    %swap3A_543 = arith.constant 0 : index
    %swap3A_544 = arith.constant 0 : index
    %swap3A_545 = vector.load %arg6[%swap3A_543, %swap3A_544] : memref<512x8xf32, #tpu.memory_space<vmem>>, vector<512x8xf32>
    tpu.vector_store %arg6[%swap3A_543, %swap3A_544], %add3A_542 {strides = array<i32>} : memref<512x8xf32, #tpu.memory_space<vmem>>, vector<512x8xf32>,
    %get3A_546 = arith.constant 0 : index
    %get3A_547 = arith.constant 0 : index
    %get3A_548 = vector.load %arg6[%get3A_546, %get3A_547] : memref<512x8xf32, #tpu.memory_space<vmem>>, vector<512x1xf32>
    %max3A = arith.constant 1.000000e+00 : f32
    %max3A_549 = vector.broadcast %max3A : f32 to vector<512x1xf32>
    %max3A_550 = arith.maximumf %get3A_548, %max3A_549 : vector<512x1xf32>
    %get3A_551 = arith.constant 0 : index
    %get3A_552 = arith.constant 0 : index
    %get3A_553 = vector.load %arg5[%get3A_551, %get3A_552] : memref<512x256xf32, #tpu.memory_space<vmem>>, vector<512x256xf32>
    %div3A = vector.broadcast %max3A_550 : vector<512x1xf32> to vector<512x256xf32>
    %div3A_554 = arith.divf %get3A_553, %div3A : vector<512x256xf32>
    %swap3A_555 = arith.constant 0 : index
    %swap3A_556 = arith.constant 0 : index
    %swap3A_557 = vector.load %arg4[%swap3A_555, %swap3A_556] : memref<512x256xf32, #tpu.memory_space<vmem>>, vector<512x256xf32>
    tpu.vector_store %arg4[%swap3A_555, %swap3A_556], %div3A_554 {strides = array<i32>} : memref<512x256xf32, #tpu.memory_space<vmem>>, vector<512x256xf32>,
    %swap3A_558 = arith.constant 0 : index
    %swap3A_559 = arith.constant 0 : index
    %swap3A_560 = vector.load %arg3[%swap3A_558, %swap3A_559] : memref<512x256xf32, #tpu.memory_space<vmem>>, vector<512x256xf32>
    tpu.vector_store %arg3[%swap3A_558, %swap3A_559], %div3A_554 {strides = array<i32>} : memref<512x256xf32, #tpu.memory_space<vmem>>, vector<512x256xf32>,
    return
  }
  func.func @transform_0(%arg0: i32) -> (i32, i32) {
    %c0_i32 = arith.constant 0 : i32
    %c0_i32_0 = arith.constant 0 : i32
    %c0_i32_1 = arith.constant 0 : i32
    return %c0_i32, %c0_i32_0 : i32, i32
  }
  func.func @transform_1(%arg0: i32) -> (i32, i32) {
    %c0_i32 = arith.constant 0 : i32
    %c0_i32_0 = arith.constant 0 : i32
    %c0_i32_1 = arith.constant 0 : i32
    return %c0_i32, %c0_i32_0 : i32, i32
  }
  func.func @transform_2(%arg0: i32) -> (i32, i32) {
    %c0_i32 = arith.constant 0 : i32
    %c0_i32_0 = arith.constant 0 : i32
    %c0_i32_1 = arith.constant 0 : i32
    return %c0_i32, %c0_i32_0 : i32, i32
  }
}

</mosaic_0001>

<sc_bundles>
// kernel: kernel.4.cloned.1.call-start
scs
__scs_entry_jumppad:
0x0: {  	(pc) =	sbr.rel $0x88, $3  }
0x1: {  	(tag) =	ssettag $0x0;
	lr =	simm.s32 $0x1  }
0x2: {  	[smem:$0x3FA0] =	sst lr;
	_ =	strace $0xD0000000  }
0x3: {  	_ = 	snop  }
0x4: {  	_ = 	snop  }
0x5: {  	_ = 	snop  }
0x6: {  	_ = 	snop  }
0x7: {  	_ = 	snop  }
__scs_overlays_trampoline_lowered:
0x8: {  	[smem:$0x3FAF] =	sst s0  }
0x9: {  	[smem:$0x3FB0] =	sst s1  }
0xa: {  	[smem:$0x3FB1] =	sst s2  }
0xb: {  	[smem:$0x3FB2] =	sst s3  }
0xc: {  	[smem:$0x3FB3] =	sst s4  }
0xd: {  	[smem:$0x3FB4] =	sst s5  }
0xe: {  	[smem:$0x3FB5] =	sst s6  }
0xf: {  	[smem:$0x3FB6] =	sst s7  }
0x10: {  	[smem:$0x3FB7] =	sst s8  }
0x11: {  	[smem:$0x3FB8] =	sst s9;
	s0 =	simm.s32 @!p0 $0x0  }
0x12: {  	s1 =	sld [smem:$0x3F9E];
	s0 =	simm.s32 @p0 $0x1  }
0x13: {  	[smem:$0x3FB9] =	sst s0;
	s0 =	simm.s32 @!p1 $0x0  }
0x14: {  	s2 =	sld [smem:$0x3F9D];
	s0 =	simm.s32 @p1 $0x1  }
0x15: {  	[smem:$0x3FBA] =	sst s0;
	s0 =	simm.s32 @!p2 $0x0  }
0x16: {  	s3 =	sld [smem:$0x3FDB];
	s0 =	simm.s32 @p2 $0x1  }
0x17: {  	s4 =	simm.s32 $0x1BF5;
	[smem:$0x3FBC] =	sst s0  }
0x18: {  	s0 =	sld [smem:$0x3F9F];
	_ =	swait.ge [sflag:s4], $0x0  }
0x19: {  	s7 =	sld [smem:$0x3FA0]  }
0x1a: {  	s8 =	sadd.s32 $0xFFFFE003, lr  }
0x1b: {  	s9 =	sadd.s32 $0xFFFFFEF7, lr;
	s5 =	simm.s32 $0xFFFFFFFF;
	p2 =	slt.u32 s8, $0xFFFFF086  }
0x1c: {  	p1 =	slt.u32 s9, $0xF7A;
	s5 =	simm.s32 @!p2 $0x0  }
0x1d: {  	s5 =	simm.s32 @p1 $0x1;
	p0 =	seq.s32 s7, s2  }
0x1e: {  	s7 =	smul.u32 @!p0 $0xF7A, s2;
	p2 =	seq.s32 @!p0 s5, $0x0  }
0x1f: {  	s9 =	smul.u32 $0xF7A, s1;
	s8 =	simm.s32 @!p0 $0x1BF5;
	p2 =	por !p2, p0  }
0x20: {  	[sflag:s8] =	ssyncset.s32 @!p0 $0xFFFFF086;
	s6 =	sadd.s32 @!p0 s3, s7;
	s7 =	simm.s32 @!p0 $0x108  }
0x21: {  	s3 =	sadd.s32 s3, s9;
	s6 =	sadd.s32 @!p0 $0x88, s6;
	s7 =	simm.s32 @p2 $0x1082  }
0x22: {  	[simem:s7], [sflag:s8] =	dma.local @!p0 [hbm:s6], $0xF7A  }
0x23: {  	s9 =	sor.u32 $0xD0000000, s2;
	s6 =	simm.s32 $0x108;
	_ =	swait.ge @!p0 [sflag:s8], $0x0  }
0x24: {  	s3 =	sadd.s32 $0x88, s3;
	s6 =	simm.s32 @!p1 $0x1082;
	[sflag:s4] =	ssyncset.s32 $0xFFFFF086  }
0x25: {  	[simem:s6], [sflag:s4] =	dma.local [hbm:s3], $0xF7A  }
0x26: {  	[smem:$0x3FA0] =	sst s1;
	(tag) =	ssettag s2;
	_ =	strace s9  }
0x27: {  	s1 =	sld [smem:$0x3FB0]  }
0x28: {  	s2 =	sld [smem:$0x3FB1]  }
0x29: {  	s4 =	sld [smem:$0x3FB3]  }
0x2a: {  	p0 =	seq.s32 s5, $0x0;
	s5 =	sld [smem:$0x3FB4]  }
0x2b: {  	s6 =	sld [smem:$0x3FB5]  }
0x2c: {  	s7 =	sld [smem:$0x3FB6]  }
0x2d: {  	s3 =	simm.s32 $0x108;
	s8 =	sld [smem:$0x3FB7]  }
0x2e: {  	s3 =	simm.s32 @!p0 $0x1082;
	s9 =	sld [smem:$0x3FB8]  }
0x2f: {  	lr =	sadd.s32 s0, s3;
	s0 =	sld [smem:$0x3FAF]  }
0x30: {  	s3 =	sld [smem:$0x3FB2]  }
0x31: {  	[smem:$0x3FBB] =	sst s10  }
0x32: {  	s10 =	sld [smem:$0x3FB9];
	_ =	sdelay $0x3  }
0x33: {  	p0 =	seq.s32 s10, $0x1;
	s10 =	sld [smem:$0x3FBB];
	_ =	sdelay $0x3  }
0x34: {  	[smem:$0x3FBB] =	sst s10  }
0x35: {  	s10 =	sld [smem:$0x3FBA];
	_ =	sdelay $0x3  }
0x36: {  	p1 =	seq.s32 s10, $0x1;
	s10 =	sld [smem:$0x3FBB];
	_ =	sdelay $0x3  }
0x37: {  	[smem:$0x3FBB] =	sst s10  }
0x38: {  	s10 =	sld [smem:$0x3FBC]  }
0x39: {  	_ = 	snop;
	(pc) =	sbr.ind lr, $3  }
0x3a: {  	_ = 	snop  }
0x3b: {  	_ = 	snop  }
0x3c: {  	p2 =	seq.s32 s10, $0x1;
	s10 =	sld [smem:$0x3FBB]  }
0x3d: {  	_ =	shalt  }
0x3e: {  	_ =	shalt  }
0x3f: {  	_ =	shalt  }
0x40: {  	_ =	shalt  }
0x41: {  	_ =	shalt  }
0x42: {  	_ =	shalt  }
0x43: {  	_ =	shalt  }
0x44: {  	_ =	shalt  }
0x45: {  	_ =	shalt  }
0x46: {  	_ =	shalt  }
0x47: {  	_ =	shalt  }
0x48: {  	_ =	shalt  }
0x49: {  	_ =	shalt  }
0x4a: {  	_ =	shalt  }
0x4b: {  	_ =	shalt  }
0x4c: {  	_ =	shalt  }
0x4d: {  	_ =	shalt  }
0x4e: {  	_ =	shalt  }
0x4f: {  	_ =	shalt  }
0x50: {  	_ =	shalt  }
0x51: {  	_ =	shalt  }
0x52: {  	_ =	shalt  }
0x53: {  	_ =	shalt  }
0x54: {  	_ =	shalt  }
0x55: {  	_ =	shalt  }
0x56: {  	_ =	shalt  }
0x57: {  	_ =	shalt  }
0x58: {  	_ =	shalt  }
0x59: {  	_ =	shalt  }
0x5a: {  	_ =	shalt  }
0x5b: {  	_ =	shalt  }
0x5c: {  	_ =	shalt  }
0x5d: {  	_ =	shalt  }
0x5e: {  	_ =	shalt  }
0x5f: {  	_ =	shalt  }
0x60: {  	_ =	shalt  }
0x61: {  	_ =	shalt  }
0x62: {  	_ =	shalt  }
0x63: {  	_ =	shalt  }
0x64: {  	_ =	shalt  }
0x65: {  	_ =	shalt  }
0x66: {  	_ =	shalt  }
0x67: {  	_ =	shalt  }
0x68: {  	_ =	shalt  }
0x69: {  	_ =	shalt  }
0x6a: {  	_ =	shalt  }
0x6b: {  	_ =	shalt  }
0x6c: {  	_ =	shalt  }
0x6d: {  	_ =	shalt  }
0x6e: {  	_ =	shalt  }
0x6f: {  	_ =	shalt  }
0x70: {  	_ =	shalt  }
0x71: {  	_ =	shalt  }
0x72: {  	_ =	shalt  }
0x73: {  	_ =	shalt  }
0x74: {  	_ =	shalt  }
0x75: {  	_ =	shalt  }
0x76: {  	_ =	shalt  }
0x77: {  	_ =	shalt  }
0x78: {  	_ =	shalt  }
0x79: {  	_ =	shalt  }
0x7a: {  	_ =	shalt  }
0x7b: {  	_ =	shalt  }
0x7c: {  	_ =	shalt  }
0x7d: {  	_ =	shalt  }
0x7e: {  	_ =	shalt  }
0x7f: {  	_ =	shalt  }
0x80: {  	_ =	shalt  }
0x81: {  	_ =	shalt  }
0x82: {  	_ =	shalt  }
0x83: {  	_ =	shalt  }
0x84: {  	_ =	shalt  }
0x85: {  	_ =	shalt  }
0x86: {  	_ =	shalt  }
0x87: {  	_ =	shalt  }
.Lfunc_end0:
.L_simem_size_0:
called_computation_lowered:
.L_overlay_start_0:
0x88: {  	s2 =	sld [smem:$0x3FD9]  }
0x89: {  	s3 =	sld [smem:$0x3FFE];
	_ =	sdelay $0x1  }
0x8a: {  	s1 =	srdreg.scid  }
0x8b: {  	s0 =	sand.u32 $0x1, s1  }
0x8c: {  	s17 =	sshll.u32 s0, $0xA;
	s2 =	sadd.s32 s3, s2  }
0x8d: {  	s2 =	sadd.s32 s2, s17  }
0x8e: {  	[smem:$0x3FC7] =	sst s2  }
0x8f: {  	_ = 	snop  }
0x90: {  	s2 =	sld [smem:$0x3FC9]  }
0x91: {  	s18 =	sld [smem:$0x3FD0];
	(tm) =	ssettm $0x1  }
0x92: {  	s4 =	sld [smem:$0x3FFB];
	_ =	sdelay $0x3  }
0x93: {  	_ =	strace s4  }
0x94: {  	s4 =	sld [smem:$0x3FFC];
	_ =	sdelay $0x3  }
0x95: {  	_ =	strace s4  }
0x96: {  	s4 =	sld [smem:$0x3FFD];
	_ =	sdelay $0x3  }
0x97: {  	_ =	strace s4  }
0x98: {  	_ =	strace $0x8FFFFFFF  }
0x99: {  	s19 =	sld [smem:$0x3FDB];
	_ =	sdelay $0x1  }
0x9a: {  	s5 =	simm.s32 $_scs_section_size  }
0x9b: {  	s6 =	simm.s32 $_size__tile_overlayer_lowered;
	s7 =	simm.s32 $_tile_overlayer_lowered  }
0x9c: {  	s22 =	simm.s32 $0x1BFF;
	s21 =	sshll.u32 s7, $0x1;
	s4 =	sadd.s32 s5, s19  }
0x9d: {  	s8 =	simm.s32 $0x0;
	s20 =	sshll.u32 s6, $0x1;
	s6 =	sadd.s32 s21, s4  }
0x9e: {  	[timem:s8], [sflag:s22] =	dma.local [hbm:s6], s20  }
0x9f: {  	_ =	swait.ge [sflag:s22], s20  }
0xa0: {  	s5 =	ssub.s32 $0x0, s20;
	[sflag:s22] =	ssyncset.done $0x0  }
0xa1: {  	[sflag:s22] =	ssyncadd.s32 s5;
	_ =	sdelay $0x1  }
0xa2: {  	s23 =	simm.s32 $0x1B8B  }
0xa3: {  	_ =	swait.ge [sflag:s23], $0x1  }
0xa4: {  	[sflag:s23] =	ssyncset.done $0x0  }
0xa5: {  	s25 =	simm.s32 $0x1B8E;
	s24 =	sld [smem:$0x3FFE];
	[sflag:s23] =	ssyncadd.s32 $0xFFFFFFFF  }
0xa6: {  	s26 =	simm.s32 $execute0_lowered;
	[smem:$0x3FD2] =	sst s25  }
0xa7: {  	s6 =	sshll.u32 s26, $0x1;
	_ =	strace $0x80000046;
	[dreg:$0x1] =	wrdreg $0xFFFFFFFF  }
0xa8: {  	s28 =	simm.s32 $_size_execute0_lowered;
	s4 =	sadd.s32 s4, s6;
	[dreg:$0x0] =	wrdreg $0x0  }
0xa9: {  	s6 =	sshll.u32 s28, $0x1;
	[dreg:$0x2] =	wrdreg s4  }
0xaa: {  	[dreg:$0x3] =	wrdreg s6  }
0xab: {  	[dreg:$0x4] =	wrdreg $0xC0  }
0xac: {  	_ =	task [dreg:s8], $0x5FFFF  }
0xad: {  	[dreg:$0x1] =	wrdreg $0xFFFFFFFF  }
0xae: {  	[dreg:$0x0] =	wrdreg $0x60  }
0xaf: {  	[dreg:$0x2] =	wrdreg s2  }
0xb0: {  	[dreg:$0x3] =	wrdreg s24  }
0xb1: {  	[dreg:$0x4] =	wrdreg s18  }
0xb2: {  	[dreg:$0x5] =	wrdreg $0x9  }
0xb3: {  	_ =	task.clear_ibuf [dreg:s8], $0x6FFFF;
	_ =	strace $0x90000046  }
0xb4: {  	s29 =	simm.s32 $0x9;
	_ =	strace $0x80000048  }
0xb5: {  	_ =	swait.ge [sflag:s29], $0x1  }
0xb6: {  	[sflag:s29] =	ssyncadd.s32 $0xFFFFFFFF  }
0xb7: {  	_ =	strace $0x90000048  }
0xb8: {  	_ =	sfence  }
0xb9: {  	s30 =	sld [smem:$0x0];
	_ =	sdelay $0x2  }
0xba: {  	s31 =	sshll.u32 s1, $0xD;
	s1 =	sshrl.u32 s1, $0x2  }
0xbb: {  	s3 =	sand.u32 $0x4000, s31;
	s1 =	sadd.s32 s1, s30  }
0xbc: {  	s0 =	sor.u32 s3, s0;
	s1 =	sshll.u32 s1, $0x11  }
0xbd: {  	s0 =	sor.u32 s1, s0  }
0xbe: {  	s0 =	sadd.s32 $0x8F2B, s0  }
0xbf: {  	[sflag:s0] =	ssyncadd.remote.s32 $0x1  }
0xc0: {  	_ =	sfence.sel $0xFFFF  }
0xc1: {  	[dreg:$0x0] =	wrdreg $0xFFFFFFFF;
	(pc) =	sbr.abs _section_cstart, $3  }
0xc2: {  	[dreg:$0x1] =	wrdreg $0xFFFFFFFF  }
0xc3: {  	_ =	task.clear_ibuf [dreg:s8], $0x2FFFF;
	_ =	strace $0x9FFFFFFF  }
0xc4: {  	(tm) =	ssettm $0x7FFFFFFF  }
0xc5: {  	_ =	shalt  }
tec
execute0_lowered:
.L_overlay_start_1:
0x0: {  	(tag) =	ssettag $0x1  }
0x1: {  	s1 =	rddreg [dreg:$0x0];
	s2 =	srdreg.scid  }
0x2: {  	s4 =	rddreg [dreg:$0x1];
	s0 =	stileid.u32;
	s7 =	sand.u32 $0x1, s2  }
0x3: {  	s9 =	rddreg [dreg:$0x2];
	s5 =	sshll.u32 s0, $0x5;
	s6 =	sshll.u32 s7, $0x4  }
0x4: {  	s3 =	simm.s32 $0x0;
	s2 =	rddreg [dreg:$0x3];
	s10 =	sor.u32 s6, s5  }
0x5: {  	[smem:$0x7FF] =	sst s3;
	s5 =	sshrl.u32 s10, $0x3  }
0x6: {  	_ =	strace $0x80000047;
	s5 =	sadd.s32 s4, s5;
	s4 =	simm.s32 $0x2  }
0x7: {  	[tilespmem:s3], [sflag:$0x2] =	stream.linear.gather [hbm4b:s5+s3], $0x10, $0x38;
	[tilespmem:$0x1080] =	vst v63  }
0x8: {  	_ =	swait.ge [sflag:s4], $0x10  }
0x9: {  	[sflag:s4] =	ssyncset.done $0x0  }
0xa: {  	[sflag:s4] =	ssyncadd.s32 $0xFFFFFFF0  }
0xb: {  	v0 =	vld [tilespmem:$0x0];
	_ =	sdelay $0x4  }
0xc: {  	v1 =	vshll.u32 v0, $0x1  }
0xd: {  	v2 =	vlaneseq.u32;
	v3 =	vand.u32 $0x7, v0;
	v1 =	vand.u32 $0xFFFFFFF0, v1  }
0xe: {  	v4 =	vshrl.u32 v2, $0x3;
	v0 =	vand.u32 $0x7, v2;
	v3 =	vor.u32 v3, v1  }
0xf: {  	v1 =	vmul.u32 $0x8, v4;
	v63 =	vperm.xlane v3, v0  }
0x10: {  	v2 =	vor.u32 $0x8, v2  }
0x11: {  	v3 =	vperm.xlane v3, v2;
	v4 =	vadd.s32 v1, v63;
	_ =	sdelay $0x1  }
0x12: {  	s11 =	ssub.s32 $0x2, s7;
	v3 =	vadd.s32 v1, v3  }
0x13: {  	s12 =	sshrl.u32 s11, $0x1  }
0x14: {  	vm0 =	vmmov $0xffff;
	s6 =	simm.s32 $0x80;
	s11 =	ssub.s32 s11, s12  }
0x15: {  	[tilespmem:s6], [sflag:$0x1] =	stream.indirect_vreg.gather [hbm4b:s1+s3], $0x80, v4, vm0, $0xb8;
	[tilespmem:$0x1080] =	vst v63  }
0x16: {  	s8 =	simm.s32 $0x1;
	s7 =	simm.s32 $0x880;
	s31 =	smax.u32 s11, $0x1  }
0x17: {  	[tilespmem:s7], [sflag:$0x1] =	stream.indirect_vreg.gather [hbm4b:s1+s3], $0x80, v3, vm0, $0xb8;
	[tilespmem:$0x1080] =	vst v63  }
0x18: {  	p0 =	sne.s32 s31, $0x1;
	_ =	swait.ge [sflag:s8], $0x1000  }
.Ltmp0:
0x19: {  	s10 =	sshll.u32 s10, $0x5;
	[sflag:s8] =	ssyncset.done $0x0;
	(pc) =	sbr.rel @!p0 .LBB2_2-.Ltmp0, $4  }
0x1a: {  	s9 =	sadd.s32 s9, s10;
	[sflag:s8] =	ssyncadd.s32 $0xFFFFF000  }
0x1b: {  	[hbm4b:s9+s3] =	stream.linear.scatter [tilespmem:s6], [sflag:$0x2], $0x1000, $0x38;
	[tilespmem:$0x1080] =	vst v63  }
0x1c: {  	_ =	swait.ge [sflag:s4], $0x1000  }
0x1d: {  	s10 =	sadd.s32 $0xFFFFFFFF, s31;
	[sflag:s4] =	ssyncset.done $0x0  }
.LBB2_1:
0x1e: {  	p0 =	sne.s32 s10, $0x1;
	s10 =	sadd.s32 $0xFFFFFFFF, s10;
	[sflag:s4] =	ssyncadd.s32 $0xFFFFF000  }
0x1f: {  	[tilespmem:s3], [sflag:$0x2] =	stream.linear.gather [hbm4b:s5+s3], $0x10, $0x38;
	[tilespmem:$0x1080] =	vst v63  }
0x20: {  	_ =	swait.ge [sflag:s4], $0x10  }
0x21: {  	[sflag:s4] =	ssyncset.done $0x0  }
0x22: {  	[sflag:s4] =	ssyncadd.s32 $0xFFFFFFF0  }
0x23: {  	v3 =	vld [tilespmem:$0x0];
	_ =	sdelay $0x4  }
0x24: {  	v4 =	vshll.u32 v3, $0x1  }
0x25: {  	v3 =	vand.u32 $0x7, v3;
	v4 =	vand.u32 $0xFFFFFFF0, v4  }
0x26: {  	v3 =	vor.u32 v3, v4  }
0x27: {  	v4 =	vperm.xlane v3, v0;
	v3 =	vperm.xlane v3, v2;
	_ =	sdelay $0x1  }
0x28: {  	v4 =	vadd.s32 v1, v4;
	_ =	sdelay $0x1  }
0x29: {  	v3 =	vadd.s32 v1, v3;
	_ =	sdelay $0x2  }
0x2a: {  	[tilespmem:s6], [sflag:$0x1] =	stream.indirect_vreg.gather [hbm4b:s1+s3], $0x80, v4, vm0, $0xb8;
	[tilespmem:$0x1080] =	vst v63  }
0x2b: {  	_ = 	snop  }
0x2c: {  	[tilespmem:s7], [sflag:$0x1] =	stream.indirect_vreg.gather [hbm4b:s1+s3], $0x80, v3, vm0, $0xb8;
	[tilespmem:$0x1080] =	vst v63  }
0x2d: {  	_ =	swait.ge [sflag:s8], $0x1000  }
.Ltmp1:
0x2e: {  	[sflag:s8] =	ssyncset.done $0x0;
	(pc) =	sbr.rel @p0 .LBB2_1-.Ltmp1, $4  }
0x2f: {  	[sflag:s8] =	ssyncadd.s32 $0xFFFFF000  }
0x30: {  	[hbm4b:s9+s3] =	stream.linear.scatter [tilespmem:s6], [sflag:$0x2], $0x1000, $0x38;
	[tilespmem:$0x1080] =	vst v63  }
0x31: {  	_ =	swait.ge [sflag:s4], $0x1000  }
0x32: {  	[sflag:s4] =	ssyncset.done $0x0  }
.LBB2_2:
0x33: {  	[sflag:s4] =	ssyncadd.s32 $0xFFFFF000  }
0x34: {  	_ =	sfence.sel $0x180000  }
0x35: {  	[bflag:$0x0] =	sbarrier.arrive $0xFFFF  }
0x36: {  	p0 =	sne.s32 s0, $0x0;
	_ =	strace $0x90000047  }
0x37: {  	s0 =	sadd.s32 @!p0 $0x100000, s2;
	[bflag:$0x2] =	sbarrier.arrive $0xFFFF  }
0x38: {  	[sflag:s0] =	ssyncadd.tile.s32 @!p0 $0x1;
	_ =	shalt  }
.Lfunc_end2:
_tile_overlayer_lowered:
.L_overlay_start_2:
0x39: {  	(tag) =	ssettag $0x2  }
0x3a: {  	s0 =	rddreg [dreg:$0x0];
	s2 =	stileid.u32  }
0x3b: {  	s1 =	rddreg [dreg:$0x1];
	p0 =	sne.s32 s2, $0x0  }
0x3c: {  	s3 =	rddreg [dreg:$0x2];
	[bflag:$0x3] =	sbarrier.arrive $0xFFFF;
	s2 =	simm.s32 @!p0 $0x1C02  }
0x3d: {  	[timem:s3], [sflag:s2] =	dma.local @!p0 [hbm:s0], s1  }
0x3e: {  	s0 =	simm.s32 @!p0 $0x2  }
0x3f: {  	_ =	swait.ge @!p0 [sflag:s0], s1  }
0x40: {  	s1 =	ssub.s32 @!p0 $0x0, s1;
	[sflag:s0] =	ssyncset.done @!p0 $0x0  }
0x41: {  	[sflag:s0] =	ssyncadd.s32 @!p0 s1  }
0x42: {  	[bflag:$0x3] =	sbarrier.arrive $0xFFFF  }
0x43: {  	_ =	shalt  }

</sc_bundles>
